<compile_context>
chip_gen: v7x
topology: tpu7x:2x2x1
jax: 0.10.2.dev20260603
libtpu: 0.0.44.dev20260713+nightly
codegen_flags: <defaults>
</compile_context>

<pallas_src>
import jax
import jax.numpy as jnp
from jax.experimental import pallas as pl

_EPS = 1e-5
_KS = [32, 16, 16]
_N_GRAPHS = 8


def _linear(p, x):
    y = x @ p["W"].T
    if "b" in p:
        y = y + p["b"]
    return y


def _layer_norm(x, g, b):
    mu = jnp.mean(x, axis=-1, keepdims=True)
    var = jnp.mean((x - mu) ** 2, axis=-1, keepdims=True)
    return (x - mu) / jnp.sqrt(var + _EPS) * g + b


def _gravnet_conv(x, bp, cross_mask, k):
    s = _linear(bp["lin_s"], x)
    h = _linear(bp["lin_h"], x)
    sq = jnp.sum(s * s, axis=-1)
    d2 = sq[:, None] + sq[None, :] - 2.0 * (s @ s.T)
    d2 = jnp.maximum(d2, 0.0)
    d2 = jnp.where(cross_mask, jnp.inf, d2)
    neg_d2, idx = jax.lax.top_k(-d2, k)
    w = jnp.exp(10.0 * neg_d2)
    msg = h[idx] * w[..., None]
    mean_agg = jnp.mean(msg, axis=1)
    max_agg = jnp.max(msg, axis=1)
    agg = jnp.concatenate([mean_agg, max_agg], axis=-1)
    return _linear(bp["lin_out1"], x) + _linear(bp["lin_out2"], agg)


def _heads_kernel(pooled_ref, wm_ref, bm_ref, g_ref, b_ref, wc_ref, bc_ref,
                  we_ref, be_ref, cls_ref, en_ref):
    pooled = pooled_ref[...]
    e = jnp.dot(pooled, wm_ref[...].T, preferred_element_type=jnp.float32)
    e = e + bm_ref[...]
    e = jnp.maximum(e, 0.0)
    mu = jnp.mean(e, axis=-1, keepdims=True)
    var = jnp.mean((e - mu) ** 2, axis=-1, keepdims=True)
    e = (e - mu) / jnp.sqrt(var + _EPS) * g_ref[...] + b_ref[...]
    cls_ref[...] = jnp.dot(e, wc_ref[...].T, preferred_element_type=jnp.float32) + bc_ref[...]
    en_ref[...] = jnp.dot(e, we_ref[...].T, preferred_element_type=jnp.float32) + be_ref[...]


def _heads(pooled, params):
    n_graphs = pooled.shape[0]
    wc = jnp.zeros((128, 128), jnp.float32).at[:4].set(params["cls"]["W"])
    bc = jnp.zeros((128,), jnp.float32).at[:4].set(params["cls"]["b"])
    we = jnp.zeros((128, 128), jnp.float32).at[:1].set(params["energy"]["W"])
    be = jnp.zeros((128,), jnp.float32).at[:1].set(params["energy"]["b"])
    cls, en = pl.pallas_call(
        _heads_kernel,
        out_shape=(
            jax.ShapeDtypeStruct((n_graphs, 128), jnp.float32),
            jax.ShapeDtypeStruct((n_graphs, 128), jnp.float32),
        ),
    )(pooled, params["mlp_lin"]["W"], params["mlp_lin"]["b"],
      params["mlp_ln_g"], params["mlp_ln_b"],
      wc, bc, we, be)
    return cls[:, :4], en[:, 0]


def kernel(x, edge_index, batch, params):
    cross_mask = batch[:, None] != batch[None, :]
    h = _linear(params["input_lin"], x)
    for blk, k in zip(params["blocks"], _KS):
        h_in = h
        h2 = _gravnet_conv(h, blk, cross_mask, k)
        h2 = _linear(blk["lin"], h2)
        h2 = _layer_norm(h2, blk["ln_g"], blk["ln_b"])
        h2 = jax.nn.relu(h2)
        h = h2 + h_in
    sums = jax.ops.segment_sum(h, batch, num_segments=_N_GRAPHS)
    counts = jax.ops.segment_sum(jnp.ones((h.shape[0],), jnp.float32), batch,
                                 num_segments=_N_GRAPHS)
    pooled = sums / jnp.maximum(counts, 1.0)[:, None]
    return _heads(pooled, params)

# --- scband reference (transcript-rebuilt; emitter-appended) ---
"""Pipeline reference for scband-grav-net-model-7473243095611 (READ-ONLY COPY).

The authoritative reference and input builder live on the scoring server;
editing this copy changes nothing except your own understanding.
"""

import jax, jax.numpy as jnp
import numpy as np

N_NODES = 10000
N_EDGES = 320000
N_GRAPHS = 8
NODE_FEATURES = 128
HIDDEN = 128
N_CLASSES = 4
SPACE_DIM = 4
PROP_DIM = 32
KS = [32, 16, 16]
EPS = 1e-5


def _lin(key, fan_in, fan_out, bias=True):
    k1, k2 = jax.random.split(key)
    lim = 1.0 / np.sqrt(fan_in)
    p = {"W": jax.random.uniform(k1, (fan_out, fan_in), minval=-lim, maxval=lim, dtype=jnp.float32)}
    if bias:
        p["b"] = jax.random.uniform(k2, (fan_out,), minval=-lim, maxval=lim, dtype=jnp.float32)
    return p


def _make_params(key):
    keys = jax.random.split(key, 32)
    params = {"input_lin": _lin(keys[0], NODE_FEATURES, HIDDEN)}
    blocks = []
    i = 1
    for k in KS:
        blk = {
            "lin_s": _lin(keys[i], HIDDEN, SPACE_DIM),
            "lin_h": _lin(keys[i + 1], HIDDEN, PROP_DIM),
            "lin_out1": _lin(keys[i + 2], HIDDEN, HIDDEN, bias=False),
            "lin_out2": _lin(keys[i + 3], 2 * PROP_DIM, HIDDEN),
            "lin": _lin(keys[i + 4], HIDDEN, HIDDEN),
            "ln_g": jnp.ones((HIDDEN,), jnp.float32),
            "ln_b": jnp.zeros((HIDDEN,), jnp.float32),
        }
        blocks.append(blk)
        i += 5
    params["blocks"] = blocks
    params["mlp_lin"] = _lin(keys[i], HIDDEN, 128)
    params["mlp_ln_g"] = jnp.ones((128,), jnp.float32)
    params["mlp_ln_b"] = jnp.zeros((128,), jnp.float32)
    params["cls"] = _lin(keys[i + 1], 128, N_CLASSES)
    params["energy"] = _lin(keys[i + 2], 128, 1)
    return params


def setup_inputs(seed: int = 0):
    key = jax.random.key(seed)
    kx, ke, kb, kp = jax.random.split(key, 4)
    x = jax.random.normal(kx, (N_NODES, NODE_FEATURES), dtype=jnp.float32)
    edge_index = jax.random.randint(ke, (2, N_EDGES), 0, N_NODES, dtype=jnp.int32)
    batch = jnp.sort(jax.random.randint(kb, (N_NODES,), 0, N_GRAPHS, dtype=jnp.int32))
    params = _make_params(kp)
    return {"x": x, "edge_index": edge_index, "batch": batch, "params": params}


def _linear(p, x):
    y = x @ p["W"].T
    if "b" in p:
        y = y + p["b"]
    return y


def _layer_norm(x, g, b):
    mu = jnp.mean(x, axis=-1, keepdims=True)
    var = jnp.mean((x - mu) ** 2, axis=-1, keepdims=True)
    return (x - mu) / jnp.sqrt(var + EPS) * g + b


def _gravnet_conv(x, bp, cross_mask, k):
    # PyG GravNetConv: learned space coords + kNN graph, gaussian edge weights,
    # mean+max aggregation of propagated features.
    s = _linear(bp["lin_s"], x)
    h = _linear(bp["lin_h"], x)
    sq = jnp.sum(s * s, axis=-1)
    d2 = sq[:, None] + sq[None, :] - 2.0 * (s @ s.T)
    d2 = jnp.maximum(d2, 0.0)
    d2 = jnp.where(cross_mask, jnp.inf, d2)
    neg_d2, idx = jax.lax.top_k(-d2, k)  # k nearest (incl. self) within same graph
    w = jnp.exp(10.0 * neg_d2)  # exp(-10 * d^2)
    msg = h[idx] * w[..., None]  # gather neighbors: [N, k, PROP_DIM]
    mean_agg = jnp.mean(msg, axis=1)
    max_agg = jnp.max(msg, axis=1)
    agg = jnp.concatenate([mean_agg, max_agg], axis=-1)
    return _linear(bp["lin_out1"], x) + _linear(bp["lin_out2"], agg)


def _forward(x, params, cross_mask, batch):
    h = _linear(params["input_lin"], x)
    for blk, k in zip(params["blocks"], KS):
        h_in = h
        h2 = _gravnet_conv(h, blk, cross_mask, k)
        h2 = _linear(blk["lin"], h2)
        h2 = _layer_norm(h2, blk["ln_g"], blk["ln_b"])
        h2 = jax.nn.relu(h2)
        h = h2 + h_in
    sums = jax.ops.segment_sum(h, batch, num_segments=N_GRAPHS)
    counts = jax.ops.segment_sum(jnp.ones((h.shape[0],), jnp.float32), batch, num_segments=N_GRAPHS)
    pooled = sums / jnp.maximum(counts, 1.0)[:, None]
    e = _linear(params["mlp_lin"], pooled)
    e = jax.nn.relu(e)
    e = _layer_norm(e, params["mlp_ln_g"], params["mlp_ln_b"])
    class_logits = _linear(params["cls"], e)
    energy_pred = _linear(params["energy"], e)[:, 0]
    return (class_logits, energy_pred)


def reference(x, edge_index, batch, params):
    # Note: PyG GravNetConv builds its own kNN graph in learned space;
    # edge_index is accepted for signature fidelity but not used by the conv.
    cross_mask = batch[:, None] != batch[None, :]
    return _forward(x, params, cross_mask, batch)

if __name__ == "__main__":
    import jax
    _d = setup_inputs()
    print(jax.jit(kernel)(*tuple(_d.values())))

</pallas_src>

<mosaic_0001>
module attributes {stable_mosaic.version = 14 : i64} {
  func.func @_heads_kernel(%arg0: memref<8x128xf32, #tpu.memory_space<vmem>>, %arg1: memref<128x128xf32, #tpu.memory_space<vmem>>, %arg2: memref<128xf32, #tpu.memory_space<vmem>>, %arg3: memref<128xf32, #tpu.memory_space<vmem>>, %arg4: memref<128xf32, #tpu.memory_space<vmem>>, %arg5: memref<128x128xf32, #tpu.memory_space<vmem>>, %arg6: memref<128xf32, #tpu.memory_space<vmem>>, %arg7: memref<128x128xf32, #tpu.memory_space<vmem>>, %arg8: memref<128xf32, #tpu.memory_space<vmem>>, %arg9: memref<8x128xf32, #tpu.memory_space<vmem>>, %arg10: memref<8x128xf32, #tpu.memory_space<vmem>>) attributes {dimension_semantics = [], scalar_prefetch = 0 : i64, scratch_operands = 0 : i64, tpu.core_type = #tpu.core_type<tc>} {
    %get3A = arith.constant 0 : index
    %get3A_0 = arith.constant 0 : index
    %get3A_1 = vector.load %arg0[%get3A, %get3A_0] : memref<8x128xf32, #tpu.memory_space<vmem>>, vector<8x128xf32>
    %get3A_2 = arith.constant 0 : index
    %get3A_3 = arith.constant 0 : index
    %get3A_4 = vector.load %arg1[%get3A_2, %get3A_3] : memref<128x128xf32, #tpu.memory_space<vmem>>, vector<128x128xf32>
    %transpose3A = tpu.transpose %get3A_4, [1, 0] : vector<128x128xf32> -> vector<128x128xf32>
    %dot_general3A = arith.constant dense<0.000000e+00> : vector<8x128xf32>
    %dot_general3A_5 = tpu.matmul %get3A_1, %transpose3A, %dot_general3A {dimension_numbers = #tpu.dot_dimension_numbers<[1], [0], [0], [1], [0, 0, 1, 1], [], []>, transpose_lhs_hint = false} : vector<8x128xf32>, vector<128x128xf32>, vector<8x128xf32> -> vector<8x128xf32>
    %get3A_6 = arith.constant 0 : index
    %get3A_7 = vector.load %arg2[%get3A_6] : memref<128xf32, #tpu.memory_space<vmem>>, vector<128xf32>
    %broadcast_in_dim3A = vector.shape_cast %get3A_7 : vector<128xf32> to vector<1x128xf32>
    %add3A = vector.broadcast %broadcast_in_dim3A : vector<1x128xf32> to vector<8x128xf32>
    %add3A_8 = arith.addf %dot_general3A_5, %add3A : vector<8x128xf32>
    %max3A = arith.constant 0.000000e+00 : f32
    %max3A_9 = vector.broadcast %max3A : f32 to vector<8x128xf32>
    %max3A_10 = arith.maximumf %add3A_8, %max3A_9 : vector<8x128xf32>
    %reduce_sum3A = arith.constant dense<0.000000e+00> : vector<8xf32>
    %reduce_sum3A_11 = vector.multi_reduction <add>, %max3A_10, %reduce_sum3A [1] : vector<8x128xf32> to vector<8xf32>
    %broadcast_in_dim3A_12 = vector.shape_cast %reduce_sum3A_11 : vector<8xf32> to vector<8x1xf32>
    %div3A = arith.constant 1.280000e+02 : f32
    %div3A_13 = vector.broadcast %div3A : f32 to vector<8x1xf32>
    %div3A_14 = arith.divf %broadcast_in_dim3A_12, %div3A_13 : vector<8x1xf32>
    %sub3A = vector.broadcast %div3A_14 : vector<8x1xf32> to vector<8x128xf32>
    %sub3A_15 = arith.subf %max3A_10, %sub3A : vector<8x128xf32>
    %integer_pow3A = arith.mulf %sub3A_15, %sub3A_15 : vector<8x128xf32>
    %reduce_sum3A_16 = arith.constant dense<0.000000e+00> : vector<8xf32>
    %reduce_sum3A_17 = vector.multi_reduction <add>, %integer_pow3A, %reduce_sum3A_16 [1] : vector<8x128xf32> to vector<8xf32>
    %broadcast_in_dim3A_18 = vector.shape_cast %reduce_sum3A_17 : vector<8xf32> to vector<8x1xf32>
    %div3A_19 = arith.constant 1.280000e+02 : f32
    %div3A_20 = vector.broadcast %div3A_19 : f32 to vector<8x1xf32>
    %div3A_21 = arith.divf %broadcast_in_dim3A_18, %div3A_20 : vector<8x1xf32>
    %sub3A_22 = vector.broadcast %div3A_14 : vector<8x1xf32> to vector<8x128xf32>
    %sub3A_23 = arith.subf %max3A_10, %sub3A_22 : vector<8x128xf32>
    %add3A_24 = arith.constant 9.99999974E-6 : f32
    %add3A_25 = vector.broadcast %add3A_24 : f32 to vector<8x1xf32>
    %add3A_26 = arith.addf %div3A_21, %add3A_25 : vector<8x1xf32>
    %sqrt3A = math.sqrt %add3A_26 : vector<8x1xf32>
    %div3A_27 = vector.broadcast %sqrt3A : vector<8x1xf32> to vector<8x128xf32>
    %div3A_28 = arith.divf %sub3A_23, %div3A_27 : vector<8x128xf32>
    %get3A_29 = arith.constant 0 : index
    %get3A_30 = vector.load %arg3[%get3A_29] : memref<128xf32, #tpu.memory_space<vmem>>, vector<128xf32>
    %broadcast_in_dim3A_31 = vector.shape_cast %get3A_30 : vector<128xf32> to vector<1x128xf32>
    %mul3A = vector.broadcast %broadcast_in_dim3A_31 : vector<1x128xf32> to vector<8x128xf32>
    %mul3A_32 = arith.mulf %div3A_28, %mul3A : vector<8x128xf32>
    %get3A_33 = arith.constant 0 : index
    %get3A_34 = vector.load %arg4[%get3A_33] : memref<128xf32, #tpu.memory_space<vmem>>, vector<128xf32>
    %broadcast_in_dim3A_35 = vector.shape_cast %get3A_34 : vector<128xf32> to vector<1x128xf32>
    %add3A_36 = vector.broadcast %broadcast_in_dim3A_35 : vector<1x128xf32> to vector<8x128xf32>
    %add3A_37 = arith.addf %mul3A_32, %add3A_36 : vector<8x128xf32>
    %get3A_38 = arith.constant 0 : index
    %get3A_39 = arith.constant 0 : index
    %get3A_40 = vector.load %arg5[%get3A_38, %get3A_39] : memref<128x128xf32, #tpu.memory_space<vmem>>, vector<128x128xf32>
    %transpose3A_41 = tpu.transpose %get3A_40, [1, 0] : vector<128x128xf32> -> vector<128x128xf32>
    %dot_general3A_42 = arith.constant dense<0.000000e+00> : vector<8x128xf32>
    %dot_general3A_43 = tpu.matmul %add3A_37, %transpose3A_41, %dot_general3A_42 {dimension_numbers = #tpu.dot_dimension_numbers<[1], [0], [0], [1], [0, 0, 1, 1], [], []>, transpose_lhs_hint = false} : vector<8x128xf32>, vector<128x128xf32>, vector<8x128xf32> -> vector<8x128xf32>
    %get3A_44 = arith.constant 0 : index
    %get3A_45 = vector.load %arg6[%get3A_44] : memref<128xf32, #tpu.memory_space<vmem>>, vector<128xf32>
    %broadcast_in_dim3A_46 = vector.shape_cast %get3A_45 : vector<128xf32> to vector<1x128xf32>
    %add3A_47 = vector.broadcast %broadcast_in_dim3A_46 : vector<1x128xf32> to vector<8x128xf32>
    %add3A_48 = arith.addf %dot_general3A_43, %add3A_47 : vector<8x128xf32>
    %swap3A = arith.constant 0 : index
    %swap3A_49 = arith.constant 0 : index
    %swap3A_50 = vector.load %arg9[%swap3A, %swap3A_49] : memref<8x128xf32, #tpu.memory_space<vmem>>, vector<8x128xf32>
    tpu.vector_store %arg9[%swap3A, %swap3A_49], %add3A_48 {strides = array<i32>} : memref<8x128xf32, #tpu.memory_space<vmem>>, vector<8x128xf32>,
    %get3A_51 = arith.constant 0 : index
    %get3A_52 = arith.constant 0 : index
    %get3A_53 = vector.load %arg7[%get3A_51, %get3A_52] : memref<128x128xf32, #tpu.memory_space<vmem>>, vector<128x128xf32>
    %transpose3A_54 = tpu.transpose %get3A_53, [1, 0] : vector<128x128xf32> -> vector<128x128xf32>
    %dot_general3A_55 = arith.constant dense<0.000000e+00> : vector<8x128xf32>
    %dot_general3A_56 = tpu.matmul %add3A_37, %transpose3A_54, %dot_general3A_55 {dimension_numbers = #tpu.dot_dimension_numbers<[1], [0], [0], [1], [0, 0, 1, 1], [], []>, transpose_lhs_hint = false} : vector<8x128xf32>, vector<128x128xf32>, vector<8x128xf32> -> vector<8x128xf32>
    %get3A_57 = arith.constant 0 : index
    %get3A_58 = vector.load %arg8[%get3A_57] : memref<128xf32, #tpu.memory_space<vmem>>, vector<128xf32>
    %broadcast_in_dim3A_59 = vector.shape_cast %get3A_58 : vector<128xf32> to vector<1x128xf32>
    %add3A_60 = vector.broadcast %broadcast_in_dim3A_59 : vector<1x128xf32> to vector<8x128xf32>
    %add3A_61 = arith.addf %dot_general3A_56, %add3A_60 : vector<8x128xf32>
    %swap3A_62 = arith.constant 0 : index
    %swap3A_63 = arith.constant 0 : index
    %swap3A_64 = vector.load %arg10[%swap3A_62, %swap3A_63] : memref<8x128xf32, #tpu.memory_space<vmem>>, vector<8x128xf32>
    tpu.vector_store %arg10[%swap3A_62, %swap3A_63], %add3A_61 {strides = array<i32>} : memref<8x128xf32, #tpu.memory_space<vmem>>, vector<8x128xf32>,
    return
  }
}

</mosaic_0001>

<sc_bundles>
// kernel: scatter_offload_async_start.1
scs
__scs_entry_jumppad:
0x0: {  	(pc) =	sbr.rel $0x88, $3  }
0x1: {  	(tag) =	ssettag $0x0;
	lr =	simm.s32 $0x1  }
0x2: {  	[smem:$0x3F74] =	sst lr;
	_ =	strace $0xD0000000  }
0x3: {  	_ = 	snop  }
0x4: {  	_ = 	snop  }
0x5: {  	_ = 	snop  }
0x6: {  	_ = 	snop  }
0x7: {  	_ = 	snop  }
__scs_overlays_trampoline_lowered:
0x8: {  	[smem:$0x3F83] =	sst s0  }
0x9: {  	[smem:$0x3F84] =	sst s1  }
0xa: {  	[smem:$0x3F85] =	sst s2  }
0xb: {  	[smem:$0x3F86] =	sst s3  }
0xc: {  	[smem:$0x3F87] =	sst s4  }
0xd: {  	[smem:$0x3F88] =	sst s5  }
0xe: {  	[smem:$0x3F89] =	sst s6  }
0xf: {  	[smem:$0x3F8A] =	sst s7  }
0x10: {  	[smem:$0x3F8B] =	sst s8  }
0x11: {  	[smem:$0x3F8C] =	sst s9;
	s0 =	simm.s32 @!p0 $0x0  }
0x12: {  	s1 =	sld [smem:$0x3F72];
	s0 =	simm.s32 @p0 $0x1  }
0x13: {  	[smem:$0x3F8D] =	sst s0;
	s0 =	simm.s32 @!p1 $0x0  }
0x14: {  	s2 =	sld [smem:$0x3F71];
	s0 =	simm.s32 @p1 $0x1  }
0x15: {  	[smem:$0x3F8E] =	sst s0;
	s0 =	simm.s32 @!p2 $0x0  }
0x16: {  	s3 =	sld [smem:$0x3FDB];
	s0 =	simm.s32 @p2 $0x1  }
0x17: {  	s4 =	simm.s32 $0x1BF5;
	[smem:$0x3F90] =	sst s0  }
0x18: {  	s0 =	sld [smem:$0x3F73];
	_ =	swait.ge [sflag:s4], $0x0  }
0x19: {  	s7 =	sld [smem:$0x3F74]  }
0x1a: {  	s8 =	sadd.s32 $0xFFFFE003, lr  }
0x1b: {  	s9 =	sadd.s32 $0xFFFFFEF7, lr;
	s5 =	simm.s32 $0xFFFFFFFF;
	p2 =	slt.u32 s8, $0xFFFFF086  }
0x1c: {  	p1 =	slt.u32 s9, $0xF7A;
	s5 =	simm.s32 @!p2 $0x0  }
0x1d: {  	s5 =	simm.s32 @p1 $0x1;
	p0 =	seq.s32 s7, s2  }
0x1e: {  	s7 =	smul.u32 @!p0 $0xF7A, s2;
	p2 =	seq.s32 @!p0 s5, $0x0  }
0x1f: {  	s9 =	smul.u32 $0xF7A, s1;
	s8 =	simm.s32 @!p0 $0x1BF5;
	p2 =	por !p2, p0  }
0x20: {  	[sflag:s8] =	ssyncset.s32 @!p0 $0xFFFFF086;
	s6 =	sadd.s32 @!p0 s3, s7;
	s7 =	simm.s32 @!p0 $0x108  }
0x21: {  	s3 =	sadd.s32 s3, s9;
	s6 =	sadd.s32 @!p0 $0x88, s6;
	s7 =	simm.s32 @p2 $0x1082  }
0x22: {  	[simem:s7], [sflag:s8] =	dma.local @!p0 [hbm:s6], $0xF7A  }
0x23: {  	s9 =	sor.u32 $0xD0000000, s2;
	s6 =	simm.s32 $0x108;
	_ =	swait.ge @!p0 [sflag:s8], $0x0  }
0x24: {  	s3 =	sadd.s32 $0x88, s3;
	s6 =	simm.s32 @!p1 $0x1082;
	[sflag:s4] =	ssyncset.s32 $0xFFFFF086  }
0x25: {  	[simem:s6], [sflag:s4] =	dma.local [hbm:s3], $0xF7A  }
0x26: {  	[smem:$0x3F74] =	sst s1;
	(tag) =	ssettag s2;
	_ =	strace s9  }
0x27: {  	s1 =	sld [smem:$0x3F84]  }
0x28: {  	s2 =	sld [smem:$0x3F85]  }
0x29: {  	s4 =	sld [smem:$0x3F87]  }
0x2a: {  	p0 =	seq.s32 s5, $0x0;
	s5 =	sld [smem:$0x3F88]  }
0x2b: {  	s6 =	sld [smem:$0x3F89]  }
0x2c: {  	s7 =	sld [smem:$0x3F8A]  }
0x2d: {  	s3 =	simm.s32 $0x108;
	s8 =	sld [smem:$0x3F8B]  }
0x2e: {  	s3 =	simm.s32 @!p0 $0x1082;
	s9 =	sld [smem:$0x3F8C]  }
0x2f: {  	lr =	sadd.s32 s0, s3;
	s0 =	sld [smem:$0x3F83]  }
0x30: {  	s3 =	sld [smem:$0x3F86]  }
0x31: {  	[smem:$0x3F8F] =	sst s10  }
0x32: {  	s10 =	sld [smem:$0x3F8D];
	_ =	sdelay $0x3  }
0x33: {  	p0 =	seq.s32 s10, $0x1;
	s10 =	sld [smem:$0x3F8F];
	_ =	sdelay $0x3  }
0x34: {  	[smem:$0x3F8F] =	sst s10  }
0x35: {  	s10 =	sld [smem:$0x3F8E];
	_ =	sdelay $0x3  }
0x36: {  	p1 =	seq.s32 s10, $0x1;
	s10 =	sld [smem:$0x3F8F];
	_ =	sdelay $0x3  }
0x37: {  	[smem:$0x3F8F] =	sst s10  }
0x38: {  	s10 =	sld [smem:$0x3F90]  }
0x39: {  	_ = 	snop;
	(pc) =	sbr.ind lr, $3  }
0x3a: {  	_ = 	snop  }
0x3b: {  	_ = 	snop  }
0x3c: {  	p2 =	seq.s32 s10, $0x1;
	s10 =	sld [smem:$0x3F8F]  }
0x3d: {  	_ =	shalt  }
0x3e: {  	_ =	shalt  }
0x3f: {  	_ =	shalt  }
0x40: {  	_ =	shalt  }
0x41: {  	_ =	shalt  }
0x42: {  	_ =	shalt  }
0x43: {  	_ =	shalt  }
0x44: {  	_ =	shalt  }
0x45: {  	_ =	shalt  }
0x46: {  	_ =	shalt  }
0x47: {  	_ =	shalt  }
0x48: {  	_ =	shalt  }
0x49: {  	_ =	shalt  }
0x4a: {  	_ =	shalt  }
0x4b: {  	_ =	shalt  }
0x4c: {  	_ =	shalt  }
0x4d: {  	_ =	shalt  }
0x4e: {  	_ =	shalt  }
0x4f: {  	_ =	shalt  }
0x50: {  	_ =	shalt  }
0x51: {  	_ =	shalt  }
0x52: {  	_ =	shalt  }
0x53: {  	_ =	shalt  }
0x54: {  	_ =	shalt  }
0x55: {  	_ =	shalt  }
0x56: {  	_ =	shalt  }
0x57: {  	_ =	shalt  }
0x58: {  	_ =	shalt  }
0x59: {  	_ =	shalt  }
0x5a: {  	_ =	shalt  }
0x5b: {  	_ =	shalt  }
0x5c: {  	_ =	shalt  }
0x5d: {  	_ =	shalt  }
0x5e: {  	_ =	shalt  }
0x5f: {  	_ =	shalt  }
0x60: {  	_ =	shalt  }
0x61: {  	_ =	shalt  }
0x62: {  	_ =	shalt  }
0x63: {  	_ =	shalt  }
0x64: {  	_ =	shalt  }
0x65: {  	_ =	shalt  }
0x66: {  	_ =	shalt  }
0x67: {  	_ =	shalt  }
0x68: {  	_ =	shalt  }
0x69: {  	_ =	shalt  }
0x6a: {  	_ =	shalt  }
0x6b: {  	_ =	shalt  }
0x6c: {  	_ =	shalt  }
0x6d: {  	_ =	shalt  }
0x6e: {  	_ =	shalt  }
0x6f: {  	_ =	shalt  }
0x70: {  	_ =	shalt  }
0x71: {  	_ =	shalt  }
0x72: {  	_ =	shalt  }
0x73: {  	_ =	shalt  }
0x74: {  	_ =	shalt  }
0x75: {  	_ =	shalt  }
0x76: {  	_ =	shalt  }
0x77: {  	_ =	shalt  }
0x78: {  	_ =	shalt  }
0x79: {  	_ =	shalt  }
0x7a: {  	_ =	shalt  }
0x7b: {  	_ =	shalt  }
0x7c: {  	_ =	shalt  }
0x7d: {  	_ =	shalt  }
0x7e: {  	_ =	shalt  }
0x7f: {  	_ =	shalt  }
0x80: {  	_ =	shalt  }
0x81: {  	_ =	shalt  }
0x82: {  	_ =	shalt  }
0x83: {  	_ =	shalt  }
0x84: {  	_ =	shalt  }
0x85: {  	_ =	shalt  }
0x86: {  	_ =	shalt  }
0x87: {  	_ =	shalt  }
.Lfunc_end0:
.L_simem_size_0:
called_computation.1_lowered:
.L_overlay_start_0:
0x88: {  	s0 =	sld [smem:$0x3FD9]  }
0x89: {  	s1 =	sld [smem:$0x3FFE];
	_ =	sdelay $0x3  }
0x8a: {  	s0 =	sadd.s32 s1, s0  }
0x8b: {  	[smem:$0x3F9B] =	sst s0  }
0x8c: {  	_ = 	snop  }
0x8d: {  	s0 =	sld [smem:$0x3FD0];
	_ =	sdelay $0x2  }
0x8e: {  	s13 =	simm.s32 $0xB;
	s2 =	simm.s32 $0x10  }
0x8f: {  	[smem:s2], [sflag:s13] =	dma.local [hbm:s0], $0x1  }
0x90: {  	_ =	swait.eq [sflag:s13], $0x1  }
0x91: {  	[sflag:s13] =	ssyncset.done $0x0  }
0x92: {  	[sflag:s13] =	ssyncadd.s32 $0xFFFFFFFF  }
0x93: {  	s14 =	sld [smem:$0x11];
	(tm) =	ssettm $0x1  }
0x94: {  	s15 =	sld [smem:$0x3FFB];
	_ =	sdelay $0x3  }
0x95: {  	_ =	strace s15  }
0x96: {  	s1 =	sld [smem:$0x3FFC];
	_ =	sdelay $0x3  }
0x97: {  	_ =	strace s1  }
0x98: {  	s1 =	sld [smem:$0x3FFD];
	_ =	sdelay $0x3  }
0x99: {  	_ =	strace s1  }
0x9a: {  	_ =	strace $0x8FFFFFFF  }
0x9b: {  	s16 =	sld [smem:$0x3FDB];
	_ =	sdelay $0x1  }
0x9c: {  	s17 =	simm.s32 $_scs_section_size  }
0x9d: {  	s3 =	simm.s32 $_size__tile_overlayer_lowered;
	s4 =	simm.s32 $_tile_overlayer_lowered  }
0x9e: {  	s20 =	simm.s32 $0x1BFF;
	s19 =	sshll.u32 s4, $0x1;
	s1 =	sadd.s32 s17, s16  }
0x9f: {  	s5 =	simm.s32 $0x0;
	s18 =	sshll.u32 s3, $0x1;
	s3 =	sadd.s32 s19, s1  }
0xa0: {  	[timem:s5], [sflag:s20] =	dma.local [hbm:s3], s18  }
0xa1: {  	_ =	swait.ge [sflag:s20], s18  }
0xa2: {  	s2 =	ssub.s32 $0x0, s18;
	[sflag:s20] =	ssyncset.done $0x0  }
0xa3: {  	[sflag:s20] =	ssyncadd.s32 s2;
	_ =	sdelay $0x1  }
0xa4: {  	s21 =	simm.s32 $0x1B8B  }
0xa5: {  	_ =	swait.ge [sflag:s21], $0x1  }
0xa6: {  	[sflag:s21] =	ssyncset.done $0x0  }
0xa7: {  	s23 =	simm.s32 $0x1B8E;
	s22 =	sld [smem:$0x3FFE];
	[sflag:s21] =	ssyncadd.s32 $0xFFFFFFFF  }
0xa8: {  	s24 =	simm.s32 $execute0_lowered;
	[smem:$0x3FD2] =	sst s23  }
0xa9: {  	s3 =	sshll.u32 s24, $0x1;
	_ =	strace $0x80000046;
	[dreg:$0x1] =	wrdreg $0xFFFFFFFF  }
0xaa: {  	s25 =	simm.s32 $_size_execute0_lowered;
	s1 =	sadd.s32 s1, s3;
	[dreg:$0x0] =	wrdreg $0x0  }
0xab: {  	s3 =	sshll.u32 s25, $0x1;
	[dreg:$0x2] =	wrdreg s1  }
0xac: {  	[dreg:$0x3] =	wrdreg s3  }
0xad: {  	[dreg:$0x4] =	wrdreg $0xC0  }
0xae: {  	_ =	task [dreg:s5], $0x5FFFF  }
0xaf: {  	[dreg:$0x1] =	wrdreg $0xFFFFFFFF  }
0xb0: {  	[dreg:$0x0] =	wrdreg $0x60  }
0xb1: {  	[dreg:$0x2] =	wrdreg s14  }
0xb2: {  	[dreg:$0x3] =	wrdreg s22  }
0xb3: {  	[dreg:$0x4] =	wrdreg $0xA  }
0xb4: {  	_ =	task.clear_ibuf [dreg:s5], $0x5FFFF;
	_ =	strace $0x90000046  }
0xb5: {  	s26 =	simm.s32 $0xA;
	_ =	strace $0x80000048  }
0xb6: {  	_ =	swait.ge [sflag:s26], $0x1  }
0xb7: {  	[sflag:s26] =	ssyncadd.s32 $0xFFFFFFFF  }
0xb8: {  	_ =	strace $0x90000048  }
0xb9: {  	_ =	sfence  }
0xba: {  	s28 =	sld [smem:$0x0];
	_ =	sdelay $0x1  }
0xbb: {  	s29 =	srdreg.scid  }
0xbc: {  	s30 =	sshll.u32 s29, $0xD;
	s31 =	sshrl.u32 s29, $0x2  }
0xbd: {  	s2 =	sand.u32 $0x4000, s30;
	s1 =	sand.u32 $0x1, s29;
	s0 =	sadd.s32 s31, s28  }
0xbe: {  	s1 =	sor.u32 s2, s1;
	s0 =	sshll.u32 s0, $0x11  }
0xbf: {  	s0 =	sor.u32 s0, s1  }
0xc0: {  	s0 =	sadd.s32 $0x8F2B, s0  }
0xc1: {  	[sflag:s0] =	ssyncadd.remote.s32 $0x1  }
0xc2: {  	_ =	sfence.sel $0xFFFF  }
0xc3: {  	[dreg:$0x0] =	wrdreg $0xFFFFFFFF;
	(pc) =	sbr.abs _section_cstart, $3  }
0xc4: {  	[dreg:$0x1] =	wrdreg $0xFFFFFFFF  }
0xc5: {  	_ =	task.clear_ibuf [dreg:s5], $0x2FFFF;
	_ =	strace $0x9FFFFFFF  }
0xc6: {  	(tm) =	ssettm $0x7FFFFFFF  }
0xc7: {  	_ =	shalt  }
tec
execute0_lowered:
.L_overlay_start_1:
0x0: {  	(tag) =	ssettag $0x1  }
0x1: {  	s1 =	rddreg [dreg:$0x0];
	s6 =	stileid.u32  }
0x2: {  	s0 =	rddreg [dreg:$0x1];
	_ =	strace $0x80000047;
	s2 =	smin.u32 s6, $0x9  }
0x3: {  	s9 =	simm.s32 $0x1;
	p0 =	slt.u32 s6, $0x9;
	s2 =	sadd.s32 s6, s2  }
0x4: {  	v1 =	vimm.s32 $0xFFFFFFFF;
	[sflag:s9] =	ssyncpa.u1 $0x0;
	s3 =	smul.u32 $0x190, s2;
	s2 =	simm.s32 $0x320  }
0x5: {  	[tilespmem:$0x10] =	vst v1;
	s2 =	simm.s32 @!p0 $0x190  }
0x6: {  	v0 =	vimm.f32 $0.0e+00;
	[tilespmem:$0x20] =	vst v1;
	s2 =	sadd.s32 s2, s3  }
0x7: {  	[tilespmem:$0x30] =	vst v0;
	s4 =	smin.u32 s2, $0x2710  }
0x8: {  	[tilespmem:$0x40] =	vst v0;
	s2 =	ssub.s32 s4, s3  }
0x9: {  	[tilespmem:$0x50] =	vst v0;
	p0 =	sgt.s32 s2, $0x0  }
0xa: {  	[tilespmem:$0x60] =	vst v1;
	s2 =	simm.s32 @!p0 $0x0  }
0xb: {  	s7 =	simm.s32 $0x2;
	s8 =	simm.s32 $0x8;
	[tilespmem:$0x70] =	vst v1;
	s5 =	sand.u32 $0xFFF0, s2  }
0xc: {  	s31 =	simm.s32 $0x9;
	s16 =	simm.s32 $0x0;
	[tilespmem:$0x80] =	vst v1;
	s5 =	sshrl.u32 s5, $0x4  }
0xd: {  	s17 =	simm.s32 $0xF0;
	s18 =	simm.s32 $0xFFFFFFFF;
	v1 =	vimm.s32 $0x0;
	[tilespmem:$0xB0] =	vst v0;
	s5 =	smul.u32 $0xA3E, s5  }
0xe: {  	s19 =	simm.s32 $0xFFFFFDE0;
	s20 =	simm.s32 $0xFFFFFFFE;
	s21 =	simm.s32 $0xF;
	[tilespmem:$0x90] =	vst v1  }
0xf: {  	[tilespmem:$0xA0] =	vst v1;
	[sflag:s7] =	ssyncpa.u1 $0x0;
	s7 =	simm.s32 $0x7;
	s10 =	sshrl.u32 s5, $0x10  }
0x10: {  	s25 =	simm.s32 $0x0;
	[sflag:s7] =	ssyncpa.u1 $0x0;
	s11 =	smul.u32 $0x190, s10  }
0x11: {  	s24 =	simm.s32 $0x0;
	s14 =	sshllo.u32 s6, $0x1;
	[sflag:s8] =	ssyncpa.u1 $0x0  }
.Ltmp0:
0x12: {  	s23 =	smov.u32 s3;
	p0 =	sne.s32 s2, s11;
	(pc) =	sbr.rel .LBB2_1-.Ltmp0, $4  }
0x13: {  	s5 =	sadd.s32 $0xC00, s0;
	s0 =	sadd.s32 $0x1200, s0;
	s9 =	simm.s32 @!p0 $0x0  }
0x14: {  	[sflag:s31] =	ssyncpa.u1 $0x0;
	[dreg:$0x3] =	wrdreg s0;
	s9 =	sadd.s32 s10, s9  }
0x15: {  	vm0 =	vmmov $0xffff;
	v2 =	vlaneseq.u32;
	p0 =	por $0x0, $0x0;
	s10 =	sshll.u32 s6, $0x1;
	s11 =	sadd.s32 $0x1, s9  }
0x16: {  	vm1 =	vmxor vm1, vm1;
	vm2 =	vmmov $0x1;
	vm3 =	vcmask $0x3F3C;
	s12 =	sadd.s32 $0x2, s9;
	s13 =	sor.u32 $0x81, s10;
	s15 =	sor.u32 $0x80, s10  }
.LBB2_9:
0x17: {  	p1 =	slt.u32 s24, $0x3  }
0x18: {  	s0 =	simm.s32 @!p1 $0x2  }
0x19: {  	_ =	swait.ge @!p1 [sflag:s0], $0x190  }
0x1a: {  	[sflag:s0] =	ssyncset.done @!p1 $0x0  }
0x1b: {  	[sflag:s0] =	ssyncadd.s32 @!p1 $0xFFFFFE70;
	s0 =	simm.s32 @!p1 $0x9  }
0x1c: {  	_ =	swait.ge @!p1 [sflag:s0], $0x10  }
0x1d: {  	[sflag:s0] =	ssyncset.done @!p1 $0x0  }
0x1e: {  	[sflag:s0] =	ssyncadd.s32 @!p1 $0xFFFFFFF0;
	p1 =	sne.s32 s24, s12  }
.Ltmp1:
0x1f: {  	s2 =	sadd.s32 $0x190, s23;
	(pc) =	sbr.rel @!p1 .LBB2_10-.Ltmp1, $4  }
0x20: {  	s6 =	smov.u32 s3;
	s31 =	sadd.s32 $0x1, s24;
	s17 =	sadd.s32 $0x190, s17  }
0x21: {  	s18 =	sadd.s32 $0x1, s18;
	s25 =	smov.u32 s23;
	p2 =	slt.s32 s2, s4  }
0x22: {  	p0 =	por !p0, !p0;
	s19 =	sadd.s32 $0x190, s19;
	s6 =	smov.u32 @p2 s2  }
0x23: {  	s20 =	sadd.s32 $0x1, s20;
	s23 =	smov.u32 s6;
	s24 =	smov.u32 s31  }
.LBB2_1:
0x24: {  	p1 =	sge.u32 s24, s9  }
0x25: {  	s0 =	smulhi.u32 @!p1 $0xAAAAAAAB, s24;
	_ =	sdelay $0x1  }
0x26: {  	s0 =	sshrl.u32 @!p1 s0, $0x1  }
0x27: {  	s0 =	smul.u32 @!p1 $0x3, s0;
	_ =	sdelay $0x1  }
0x28: {  	s0 =	ssub.s32 @!p1 s24, s0  }
0x29: {  	s0 =	smul.u32 @!p1 $0x640, s0;
	_ =	sdelay $0x1  }
0x2a: {  	s2 =	sshrl.u32 @!p1 s23, $0x3;
	s0 =	sshrl.u32 @!p1 s0, $0x2  }
0x2b: {  	s22 =	sand.u32 @!p1 $0x7, s23;
	s2 =	sadd.s32 @!p1 s5, s2;
	s0 =	sadd.s32 @!p1 $0x100, s0  }
0x2c: {  	[tilespmem:s0], [sflag:$0x7] =	stream.linear.gather @!p1 [hbm4b:s2+s22], $0x190, $0x38;
	[tilespmem:$0xF30] =	vst v63  }
0x2d: {  	s0 =	sadd.s32 $0xFFFFFFFF, s24  }
0x2e: {  	p1 =	sge.u32 s0, s9  }
.Ltmp2:
0x2f: {  	_ = 	snop;
	(pc) =	sbr.rel @p1 .LBB2_5-.Ltmp2, $1  }
0x30: {  	_ =	sdelay $0x3  }
0x31: {  	s2 =	smulhi.u32 $0xAAAAAAAB, s0;
	_ =	sdelay $0x1  }
0x32: {  	s2 =	sshrl.u32 s2, $0x1  }
0x33: {  	s2 =	smul.u32 $0x3, s2;
	_ =	sdelay $0x1  }
0x34: {  	s2 =	ssub.s32 s0, s2  }
0x35: {  	s2 =	smul.u32 $0x640, s2  }
0x36: {  	_ =	swait.ge [sflag:s7], $0x190  }
0x37: {  	[sflag:s7] =	ssyncset.done $0x0;
	s2 =	sshrl.u32 s2, $0x2  }
0x38: {  	[sflag:s7] =	ssyncadd.s32 $0xFFFFFE70;
	(ifvalue) =	ssetifvalue $0xFFFFFFFF;
	v3 =	vld.msk [tilespmem:s2+$0x100 ss:$0x1], $0xffff;
	_ =	sdelay $0x2  }
0x39: {  	s30 =	smulhi.u32 $0xAAAAAAAB, s18;
	p1 =	sne.s32 s24, $0x1  }
0x3a: {  	v4 =	vimm.s32 @!p1 $0x0  }
0x3b: {  	s2 =	sshrl.u32 s30, $0x1;
	v4 =	vperm.xlane @!p1 v3, v4  }
0x3c: {  	s22 =	sshll.u32 s24, $0x4;
	s2 =	smul.u32 $0xFFFFED40, s2;
	vm4 =	vlt.u32 v3, $0x80  }
0x3d: {  	s22 =	sand.u32 $0x10, s22;
	v3 =	vnsel vm4, $0xFFFFFFFE, v3;
	vm4 =	vlt.u32 @!p1 v4, $0x80  }
0x3e: {  	s2 =	sshra.s32 s2, $0x2;
	[tilespmem:s22+$0x60] =	vst v3;
	v3 =	vnsel @!p1 vm4, $0xFFFFFFFE, v4  }
0x3f: {  	s28 =	sadd.s32 s2, s17;
	[tilespmem:$0x80] =	vst @!p1 v3  }
0x40: {  	v3 =	vld.msk [tilespmem:s28+$0x0 ss:$0x1], $0xffff;
	_ =	sdelay $0x4  }
0x41: {  	(xrf1) =	vunique.msk.u32 $0xffff, v3;
	_ =	sdelay $0xd  }
0x42: {  	v4 =	vimm.s32 $0xFFFFFFFF;
	v5, _, _ =	vpop (xrf1)  }
0x43: {  	vm5 =	vne.s32 v3, v4;
	vm4 =	veq.s32 v5, v2  }
0x44: {  	vm6 =	vlt.u32 v3, $0x80;
	vm4 =	vmand vm5, vm4  }
0x45: {  	vm4 =	vmand vm6, vm4  }
0x46: {  	v4 =	vnsel vm4, $0xFFFFFFFF, v3  }
0x47: {  	s31 =	sand.u32 $0x1, s0  }
0x48: {  	s0 =	simm.s32 $0x190;
	p1 =	seq.s32 s31, $0x1  }
0x49: {  	s0 =	simm.s32 @!p1 $0x0  }
0x4a: {  	s26 =	sadd.s32 $0x730, s0;
	(ifvalue) =	ssetifvalue $0xFFFFFFFF  }
0x4b: {  	v3 =	vperm.xlane v3, v1;
	[tilespmem:s26], [sflag:$0x8] =	stream.indirect_vreg.gather [hbm4b:s1+s16], $0x1, v4, vm0, $0x4038;
	v4 =	vnsel vm6, $0xFFFFFFFE, v4;
	[tilespmem:$0xF30] =	vst v63  }
0x4c: {  	s2 =	simm.s32 $0x0;
	s22 =	sadd.s32 $0xFFFFFFF0, s28;
	[tilespmem:s28+$0x0] =	vst v4  }
.LBB2_3:
0x4d: {  	v4 =	vld.msk [tilespmem:s22+$0x0 ss:$0x1], $0xffff;
	s2 =	sadd.s32 $0x10, s2;
	v5 =	vmov v3;
	s28 =	smov.u32 s22  }
0x4e: {  	p1 =	slt.u32 s2, $0x180;
	_ =	sdelay $0x4  }
0x4f: {  	v3 =	vperm.xlane v4, v1;
	(xrf1) =	vunique.msk.u32 $0xffff, v4;
	_ =	sdelay $0xd  }
0x50: {  	v6, _, _ =	vpop (xrf1)  }
0x51: {  	vm5 =	vne.s32 v4, v5;
	vm4 =	veq.s32 v6, v2  }
0x52: {  	vm6 =	vlt.u32 v4, $0x80;
	vm4 =	vmand vm5, vm4  }
0x53: {  	vm4 =	vmand vm6, vm4  }
0x54: {  	v4 =	vnsel vm4, $0xFFFFFFFF, v4  }
.Ltmp3:
0x55: {  	v5 =	vnsel vm6, $0xFFFFFFFE, v4;
	(pc) =	sbr.rel @p1 .LBB2_3-.Ltmp3, $3  }
0x56: {  	_ =	sdelay $0x1  }
0x57: {  	s22 =	sadd.s32 $0xFFFFFFF0, s22;
	s26 =	sadd.s32 $0xFFFFFFF0, s26;
	(ifvalue) =	ssetifvalue $0xFFFFFFFF  }
0x58: {  	[tilespmem:s26], [sflag:$0x8] =	stream.indirect_vreg.gather [hbm4b:s1+s16], $0x1, v4, vm0, $0x4038;
	[tilespmem:s28+$0x0] =	vst v5  }
0x59: {  	s2 =	sshrl.u32 s25, $0x3;
	s6 =	rddreg [dreg:$0x3]  }
0x5a: {  	s0 =	sadd.s32 $0x8D0, s0;
	s2 =	sadd.s32 s6, s2  }
0x5b: {  	[tilespmem:s0], [sflag:$0x8] =	stream.linear.gather [hbm:s2], $0x190, $0x38;
	[tilespmem:$0xF30] =	vst v63  }
.LBB2_5:
0x5c: {  	p1 =	slt.u32 s24, $0x2  }
0x5d: {  	p2 =	sge.u32 @!p1 s24, s12  }
0x5e: {  	p1 =	por p1, p2  }
.Ltmp4:
0x5f: {  	_ = 	snop;
	(pc) =	sbr.rel @p1 .LBB2_9-.Ltmp4, $1  }
0x60: {  	_ =	sdelay $0x3  }
0x61: {  	s0 =	sadd.s32 $0xFFFFFFFE, s24  }
0x62: {  	s2 =	smulhi.u32 $0xAAAAAAAB, s0;
	_ =	sdelay $0x1  }
0x63: {  	s2 =	sshrl.u32 s2, $0x1  }
0x64: {  	s2 =	smul.u32 $0x3, s2;
	_ =	sdelay $0x1  }
0x65: {  	s0 =	ssub.s32 s0, s2  }
0x66: {  	_ =	swait.ge [sflag:s8], $0x320;
	s0 =	smul.u32 $0x190, s0  }
0x67: {  	p1 =	sne.s32 s24, s11;
	[sflag:s8] =	ssyncset.done $0x0  }
0x68: {  	[sflag:s8] =	ssyncadd.s32 $0xFFFFFCE0;
	s2 =	sadd.s32 @!p1 $0x28F, s0  }
0x69: {  	[spmem:s13] =	stream.linear.scatter @!p1 [tilespmem:s2], [sflag:$0x1], $0x1, $0x38;
	[tilespmem:$0xF30] =	vst v63  }
0x6a: {  	s2 =	simm.s32 @!p1 $0x1  }
0x6b: {  	_ =	swait.ge @!p1 [sflag:s2], $0x1  }
0x6c: {  	s22 =	sshll.u32 s24, $0x4;
	[sflag:s2] =	ssyncset.done @!p1 $0x0  }
0x6d: {  	s25 =	sand.u32 $0x10, s22;
	[sflag:s2] =	ssyncadd.s32 @!p1 $0xFFFFFFFF  }
0x6e: {  	s2 =	sxor.u32 $0x10, s25;
	v4 =	vld [tilespmem:s25+$0x10]  }
0x6f: {  	v5 =	vld [tilespmem:s2+$0x60]  }
0x70: {  	v3 =	vld [tilespmem:$0x80];
	_ =	sdelay $0x2  }
0x71: {  	(v2sf) =	vpush v4, $0x0  }
0x72: {  	(v2sf) =	vpush v5, $0x0  }
0x73: {  	(v2sf) =	vpush v3, $0x0;
	_ =	sdelay $0xc  }
0x74: {  	s6 =	spop (v2sf)  }
0x75: {  	s28 =	spop (v2sf)  }
0x76: {  	s26 =	spop (v2sf)  }
0x77: {  	p2 =	seq.s32 s6, s28;
	p3 =	seq.s32 s26, s6  }
0x78: {  	p3 =	por p2, p3  }
0x79: {  	s6 =	sand.u32 $0x1, s24;
	v4 =	vpsel p3, $0xFFFFFFFF, v4  }
0x7a: {  	s28 =	smul.u32 $0x190, s6;
	[tilespmem:s25+$0x10] =	vst.msk $0x1, v4  }
0x7b: {  	v4 =	vld [tilespmem:$0x30]  }
0x7c: {  	v5 =	vld [tilespmem:s28+$0x8D0]  }
0x7d: {  	v6 =	vld [tilespmem:s25+$0x40];
	_ =	sdelay $0x3  }
0x7e: {  	vm4 =	vmmov vm1;
	v5 =	vadd.f32 v5, v4  }
0x7f: {  	vm5 =	vmmov vm2;
	vm4 =	vmmov @p2 vm2;
	v4 =	vadd.f32 v6, v4  }
0x80: {  	s22 =	sshll.u32 s6, $0x4;
	vm5 =	vmmov @p3 vm1;
	[tilespmem:s28+$0x8D0] =	vst.msk vm4, v5  }
0x81: {  	[tilespmem:s22+$0xF10] =	vst.msk vm5, v4  }
0x82: {  	v4 =	vld [tilespmem:s28+$0x730];
	_ =	sdelay $0x3  }
0x83: {  	v5 =	vimm.f32 $0.0e+00  }
0x84: {  	v4 =	vshift.insert v4, v5, s21  }
0x85: {  	s29 =	sor.u32 $0x40, s2  }
0x86: {  	[tilespmem:s29+$0x0] =	vst.msk $0x1, v4  }
0x87: {  	[tilespmem:s28+$0x73F] =	vst.msk $0x1, v5  }
0x88: {  	v4 =	vld [tilespmem:s0+$0x280];
	_ =	sdelay $0x1  }
0x89: {  	s29 =	smulhi.u32 $0xAAAAAAAB, s20;
	s0 =	simm.s32 $0x1  }
0x8a: {  	s0 =	simm.s32 @!p0 $0x0  }
0x8b: {  	s29 =	sshrl.u32 s29, $0x1;
	s0 =	smul.u32 $0x640, s0  }
0x8c: {  	s29 =	smul.u32 $0xFFFFED40, s29;
	v4 =	vshift.insert v4, v1, s21  }
0x8d: {  	s0 =	sshrl.u32 s0, $0x2  }
0x8e: {  	s29 =	sshra.s32 s29, $0x2;
	s30 =	sadd.s32 $0x8D0, s0;
	[tilespmem:s2+$0x10] =	vst.msk $0x1, v4  }
0x8f: {  	s6 =	sadd.s32 s29, s19;
	v6 =	vld [tilespmem:s30+$0x0]  }
0x90: {  	v7 =	vld [tilespmem:s6+$0x0];
	_ =	sdelay $0x3  }
0x91: {  	v5 =	vadd.f32 v6, v5  }
0x92: {  	vm4 =	vne.s32 v7, $0xFFFFFFFF  }
0x93: {  	(xrf2) =	vadd.seg.scan.f32 vm4, v5;
	_ =	sdelay $0x3  }
0x94: {  	s31 =	sadd.s32 $0x5B0, s0;
	v5 =	vperm.xlane v4, v1  }
0x95: {  	v6 =	vld [tilespmem:s31+$0x0]  }
0x96: {  	vm5 =	veq.s32 v7, v3;
	vm6 =	veq.s32 v7, v5  }
0x97: {  	vm7 =	vgt.u32 v7, $0xFFFFFFFD;
	vm6 =	vmor vm6, vm5  }
0x98: {  	vm6 =	vmor vm6, vm7  }
0x99: {  	v9 =	vld [tilespmem:$0xA0];
	v7 =	vsel vm6, $0xFFFFFFFF, v7  }
0x9a: {  	v10 =	vld [tilespmem:$0x90];
	v6 =	vsel vm5, $0x0, v6;
	v8, _, _ =	vpop (xrf2)  }
0x9b: {  	v6 =	vadd.f32 v8, v6  }
0x9c: {  	s0 =	sadd.s32 $0xBF0, s0  }
0x9d: {  	vm4 =	vmand vm4, vm3;
	[tilespmem:s0+$0x0] =	vst v6;
	(ifvalue) =	ssetifvalue $0xFFFFFFFF  }
0x9e: {  	vm6 =	veq.s32 v9, $0x1;
	[hbm4b:s1+s16] =	stream.indirect_vreg.scatter [tilespmem:s0], [sflag:$0x2], $0x1, v7, vm0, $0x4038;
	v7 =	vsel vm4, $0x0, v8;
	[tilespmem:$0xF30] =	vst v63  }
0x9f: {  	s29 =	sadd.s32 $0xF10, s22;
	s22 =	sadd.s32 $0x10, s6;
	s2 =	simm.s32 $0x0;
	vm4 =	vmor vm6, vm5;
	v6 =	vsel vm5, v8, v10;
	v7 =	vshift.insert v7, v0, s21  }
.LBB2_7:
0xa0: {  	v8 =	vld [tilespmem:s22+$0x0];
	s30 =	sadd.s32 $0x10, s30  }
0xa1: {  	s31 =	sadd.s32 $0x10, s31;
	v9 =	vld [tilespmem:s30+$0x0]  }
0xa2: {  	s2 =	sadd.s32 $0x10, s2;
	v10 =	vld [tilespmem:s31+$0x0]  }
0xa3: {  	p2 =	slt.u32 s2, $0x180;
	_ =	sdelay $0x2  }
0xa4: {  	v7 =	vadd.f32 v9, v7  }
0xa5: {  	vm5 =	vne.s32 v8, $0xFFFFFFFF  }
0xa6: {  	vm6 =	vmand vm5, vm3;
	(xrf2) =	vadd.seg.scan.f32 vm5, v7;
	_ =	sdelay $0x5  }
0xa7: {  	vm7 =	veq.s32 v8, v5;
	vm5 =	veq.s32 v8, v3  }
0xa8: {  	vm8 =	vgt.u32 v8, $0xFFFFFFFD;
	vm4 =	vmor vm4, vm5;
	vm7 =	vmor vm7, vm5  }
0xa9: {  	vm7 =	vmor vm7, vm8  }
0xaa: {  	v8 =	vsel vm7, $0xFFFFFFFF, v8  }
.Ltmp5:
0xab: {  	v7 =	vsel vm5, $0x0, v10;
	v9, _, _ =	vpop (xrf2);
	(pc) =	sbr.rel @p2 .LBB2_7-.Ltmp5, $4  }
0xac: {  	v6 =	vsel vm5, v9, v6;
	v10 =	vadd.f32 v9, v7;
	v7 =	vsel vm6, $0x0, v9  }
0xad: {  	s0 =	sadd.s32 $0x10, s0;
	v7 =	vshift.insert v7, v0, s21  }
0xae: {  	s22 =	sadd.s32 $0x10, s22;
	[tilespmem:s0+$0x0] =	vst v10;
	(ifvalue) =	ssetifvalue $0xFFFFFFFF  }
0xaf: {  	[hbm4b:s1+s16] =	stream.indirect_vreg.scatter [tilespmem:s0], [sflag:$0x2], $0x1, v8, vm0, $0x4038;
	[tilespmem:$0xF30] =	vst v63  }
0xb0: {  	v3 =	vld [tilespmem:s28+$0xD70];
	_ =	sdelay $0x4  }
0xb1: {  	v3 =	vshift.insert v3, v0, s21  }
0xb2: {  	s0 =	simm.s32 $0x30  }
0xb3: {  	[tilespmem:s0+$0x0] =	vst.msk $0x1, v3  }
0xb4: {  	v3 =	vsel vm4, $0x1, v1;
	[tilespmem:$0x90] =	vst v6  }
0xb5: {  	s0 =	sadd.s32 @!p1 $0xD7F, s28;
	[tilespmem:$0xA0] =	vst v3  }
0xb6: {  	[spmem:s14] =	stream.linear.scatter @!p1 [tilespmem:s0], [sflag:$0x1], $0x1, $0x38;
	[tilespmem:$0xF30] =	vst v63  }
0xb7: {  	s0 =	simm.s32 @!p1 $0x1  }
0xb8: {  	v3 =	vmctz.xlane @!p1 vm4;
	_ =	swait.ge @!p1 [sflag:s0], $0x1  }
0xb9: {  	(v2sf) =	vpush @!p1 v4, $0x0  }
0xba: {  	(v2sf) =	vpush @!p1 v3, $0x0;
	_ =	sdelay $0xd  }
0xbb: {  	s2 =	spop @!p1 (v2sf)  }
0xbc: {  	s6 =	spop @!p1 (v2sf)  }
0xbd: {  	p2 =	sne.s32 @!p1 s26, s2;
	p3 =	slt.s32 @!p1 s6, $0xF  }
0xbe: {  	[sflag:s0] =	ssyncset.done @!p1 $0x0;
	p2 =	por p2, p1;
	p3 =	por !p3, p1  }
0xbf: {  	[sflag:s0] =	ssyncadd.s32 @!p1 $0xFFFFFFFF;
	v3 =	vimm.s32 @!p2 $0xFFFFFFFF;
	s6 =	simm.s32 @p3 $0xF  }
0xc0: {  	[tilespmem:$0x80] =	vst @!p2 v3;
	s2 =	sadd.s32 @!p1 $0x90, s6  }
0xc1: {  	[spmem:s10] =	stream.linear.scatter @!p1 [tilespmem:s2], [sflag:$0x1], $0x1, $0x38;
	[tilespmem:$0xF30] =	vst v63  }
0xc2: {  	_ =	swait.ge @!p1 [sflag:s0], $0x1  }
0xc3: {  	[sflag:s0] =	ssyncset.done @!p1 $0x0  }
0xc4: {  	s2 =	simm.s32 @!p1 $0x80;
	[sflag:s0] =	ssyncadd.s32 @!p1 $0xFFFFFFFF  }
0xc5: {  	[spmem:s15] =	stream.linear.scatter @!p1 [tilespmem:s2], [sflag:$0x1], $0x1, $0x38;
	[tilespmem:$0xF30] =	vst v63  }
0xc6: {  	_ =	swait.ge @!p1 [sflag:s0], $0x1  }
0xc7: {  	[sflag:s0] =	ssyncset.done @!p1 $0x0  }
0xc8: {  	[sflag:s0] =	ssyncadd.s32 @!p1 $0xFFFFFFFF;
	(ifvalue) =	ssetifvalue $0xFFFFFFFF;
	v3 =	vld [tilespmem:s25+$0x10];
	_ =	sdelay $0x3  }
.Ltmp6:
0xc9: {  	_ = 	snop;
	(pc) =	sbr.rel .LBB2_9-.Ltmp6, $3  }
0xca: {  	_ =	sdelay $0x1  }
0xcb: {  	(ifvalue) =	ssetifvalue $0xFFFFFFFF  }
0xcc: {  	[hbm4b:s1+s16] =	stream.indirect_vreg.scatter [tilespmem:s29], [sflag:$0x9], $0x1, v3, vm0, $0x4038;
	[tilespmem:$0xF30] =	vst v63  }
.LBB2_10:
0xcd: {  	_ =	sfence.sel $0x180000  }
0xce: {  	s0 =	simm.s32 $0x7;
	[bflag:$0x0] =	sbarrier.arrive $0xFFFF  }
0xcf: {  	s26 =	simm.s32 $0x8;
	[sflag:s0] =	ssyncpa.u1 $0x1  }
0xd0: {  	s28 =	simm.s32 $0x9;
	[sflag:s26] =	ssyncpa.u1 $0x1  }
0xd1: {  	[sflag:s28] =	ssyncpa.u1 $0x1  }
0xd2: {  	_ =	sfence.stream.spmem  }
0xd3: {  	s29 =	simm.s32 $0x3;
	[bflag:$0x0] =	sbarrier.arrive $0xFFFF  }
0xd4: {  	s30 =	simm.s32 $0x4;
	[sflag:s29] =	ssyncpa.u1 $0x1  }
0xd5: {  	s31 =	simm.s32 $0x3C;
	s2 =	stileid.u32;
	[sflag:s30] =	ssyncpa.u1 $0x1  }
0xd6: {  	p0 =	sne.s32 s2, $0x0;
	[sflag:s31] =	ssyncpa.u1 $0x1  }
0xd7: {  	s0 =	simm.s32 @p0 $0x1;
	_ =	sfence @p0  }
0xd8: {  	[sflag:s0] =	ssyncpa.u1 @p0 $0x1;
	s0 =	simm.s32 @p0 $0x2  }
0xd9: {  	[sflag:s0] =	ssyncpa.u1 @p0 $0x1  }
0xda: {  	_ =	strace @p0 $0x90000047  }
0xdb: {  	[bflag:$0x2] =	sbarrier.arrive @p0 $0xFFFF  }
0xdc: {  	_ =	shalt @p0  }
.LBB2_11:
0xdd: {  	_ =	sfence.stream.spmem;
	s0 =	simm.s32 $0x5  }
0xde: {  	s2 =	simm.s32 $0x80;
	s3 =	simm.s32 $0xC0;
	[sflag:s0] =	ssyncpa.u1 $0x0  }
0xdf: {  	[tilespmem:s3], [sflag:$0x5] =	stream.linear.gather [spmem:s2], $0x20, $0x38;
	[tilespmem:$0xF30] =	vst v63  }
0xe0: {  	s2 =	simm.s32 $0x0;
	s3 =	simm.s32 $0xE0  }
0xe1: {  	[tilespmem:s3], [sflag:$0x5] =	stream.linear.gather [spmem:s2], $0x20, $0x38;
	[tilespmem:$0xF30] =	vst v63  }
.Ltmp7:
0xe2: {  	_ = 	snop;
	(pc) =	sbr.rel .LBB2_12-.Ltmp7, $4  }
0xe3: {  	_ =	swait.ge [sflag:s0], $0x40  }
0xe4: {  	[sflag:s0] =	ssyncset.done $0x0  }
0xe5: {  	s31 =	simm.s32 $0x6;
	[sflag:s0] =	ssyncadd.s32 $0xFFFFFFC0  }
0xe6: {  	s4 =	simm.s32 $0x0;
	[sflag:s31] =	ssyncpa.u1 $0x0  }
.LBB2_17:
0xe7: {  	p0 =	sgt.u32 s5, $0x7F  }
0xe8: {  	s0 =	sshrl.u32 @!p0 s5, $0x3  }
0xe9: {  	s5 =	sand.u32 @!p0 $0x7, s5;
	s6 =	simm.s32 @!p0 $0xB0;
	s0 =	sadd.s32 @!p0 s1, s0  }
0xea: {  	[tilespmem:s6], [sflag:$0x6] =	stream.linear.gather @!p0 [hbm4b:s0+s5], $0x1, $0x38;
	[tilespmem:$0xF30] =	vst v63  }
0xeb: {  	s0 =	simm.s32 @!p0 $0x6  }
0xec: {  	_ =	swait.ge @!p0 [sflag:s0], $0x1  }
0xed: {  	[sflag:s0] =	ssyncset.done @!p0 $0x0  }
0xee: {  	[sflag:s0] =	ssyncadd.s32 @!p0 $0xFFFFFFFF  }
0xef: {  	v2 =	vmov @!p0 s4;
	v1 =	vld.msk @!p0 [tilespmem:$0xB0], $0x1;
	_ =	sdelay $0x3  }
0xf0: {  	s0 =	simm.s32 @!p0 $0xE0  }
0xf1: {  	[tilespmem:v2+s0+$0x0], v1 =	vst.idx.ret.add.f32.msk @!p0 $0x1, v1  }
0xf2: {  	[tilespmem:s2+$0xC0] =	vst.msk $0x1, v0  }
0xf3: {  	v0 =	vld.msk [tilespmem:s4+$0xE0], $0x1;
	_ =	sdelay $0x4  }
0xf4: {  	[tilespmem:s2+$0xE0] =	vst.msk $0x1, v0;
	s2 =	sadd.s32 $0x1, s2  }
.LBB2_19:
0xf5: {  	s4 =	sadd.s32 $0x1, s4  }
0xf6: {  	p0 =	sne.s32 s4, $0x20  }
.Ltmp8:
0xf7: {  	_ = 	snop;
	(pc) =	sbr.rel @!p0 .LBB2_20-.Ltmp8, $1  }
0xf8: {  	_ =	sdelay $0x3  }
.LBB2_12:
0xf9: {  	v0 =	vld.msk [tilespmem:s4+$0xC0], $0x1;
	_ =	sdelay $0x4  }
0xfa: {  	(v2sf) =	vpush v0, $0x0;
	_ =	sdelay $0xe  }
0xfb: {  	s5 =	spop (v2sf)  }
0xfc: {  	p0 =	seq.s32 s5, $0xFFFFFFFF  }
.Ltmp9:
0xfd: {  	_ = 	snop;
	(pc) =	sbr.rel @p0 .LBB2_19-.Ltmp9, $1  }
0xfe: {  	_ =	sdelay $0x3  }
0xff: {  	p0 =	slt.s32 s2, $0x1  }
.Ltmp10:
0x100: {  	_ = 	snop;
	(pc) =	sbr.rel @p0 .LBB2_17-.Ltmp10, $1  }
0x101: {  	_ =	sdelay $0x3  }
0x102: {  	s0 =	simm.s32 $0xC0;
	p0 =	por $0x0, $0x0  }
0x103: {  	v1 =	vld.msk @!p0 [tilespmem:s0+$0x0], $0x1;
	_ =	sdelay $0x4  }
0x104: {  	(v2sf) =	vpush @!p0 v1, $0x0;
	_ =	sdelay $0xd  }
0x105: {  	p2 =	sne.s32 s2, $0x1  }
.Ltmp11:
0x106: {  	s6 =	spop @!p0 (v2sf);
	(pc) =	sbr.rel @!p2 .LBB2_16-.Ltmp11, $4  }
0x107: {  	p1 =	seq.s32 @!p0 s5, s6  }
0x108: {  	s6 =	simm.s32 $0x0;
	p1 =	por !p1, p0  }
0x109: {  	s8 =	simm.s32 $0xFFFFFFFF;
	s6 =	simm.s32 @p1 $0xFFFFFFFF  }
0x10a: {  	s7 =	simm.s32 $0x1;
	s6 =	smov.u32 @p0 s8  }
.LBB2_15:
0x10b: {  	s8 =	smov.u32 s6;
	p0 =	sne.s32 s6, $0xFFFFFFFF  }
0x10c: {  	s0 =	sadd.s32 $0x1, s0;
	s6 =	smov.u32 s7;
	s7 =	sadd.s32 $0x1, s7  }
0x10d: {  	p1 =	sne.s32 s2, s7;
	v1 =	vld.msk @!p0 [tilespmem:s0+$0x0], $0x1;
	_ =	sdelay $0x4  }
0x10e: {  	(v2sf) =	vpush @!p0 v1, $0x0;
	_ =	sdelay $0xe  }
.Ltmp12:
0x10f: {  	s9 =	spop @!p0 (v2sf);
	(pc) =	sbr.rel @p1 .LBB2_15-.Ltmp12, $4  }
0x110: {  	p2 =	seq.s32 @!p0 s5, s9  }
0x111: {  	p2 =	por !p2, p0  }
0x112: {  	s6 =	simm.s32 @p2 $0xFFFFFFFF  }
0x113: {  	s6 =	smov.u32 @p0 s8  }
.LBB2_16:
0x114: {  	p0 =	sne.s32 s6, $0xFFFFFFFF  }
.Ltmp13:
0x115: {  	_ = 	snop;
	(pc) =	sbr.rel @!p0 .LBB2_17-.Ltmp13, $1  }
0x116: {  	_ =	sdelay $0x3  }
0x117: {  	v0 =	vld.msk [tilespmem:s4+$0xE0], $0x1;
	v1 =	vmov s6  }
.Ltmp14:
0x118: {  	_ = 	snop;
	(pc) =	sbr.rel .LBB2_19-.Ltmp14, $2  }
0x119: {  	_ =	sdelay $0x2  }
0x11a: {  	[tilespmem:v1+s3+$0x0], v0 =	vst.idx.ret.add.f32.msk $0x1, v0  }
.LBB2_20:
0x11b: {  	p0 =	slt.s32 s2, $0x1  }
.Ltmp15:
0x11c: {  	_ = 	snop;
	(pc) =	sbr.rel @p0 .LBB2_24-.Ltmp15, $3  }
0x11d: {  	_ =	sdelay $0x1  }
0x11e: {  	s0 =	simm.s32 $0x6  }
0x11f: {  	s3 =	simm.s32 $0x0;
	[sflag:s0] =	ssyncpa.u1 $0x1  }
0x120: {  	s0 =	simm.s32 $0xC0  }
0x121: {  	v0 =	vld.msk [tilespmem:s0+$0x0], $0x1;
	_ =	sdelay $0x4  }
0x122: {  	(v2sf) =	vpush v0, $0x0;
	_ =	sdelay $0xe  }
0x123: {  	s2 =	sadd.s32 $0xFFFFFFFF, s2;
	s4 =	spop (v2sf)  }
0x124: {  	p1 =	sne.s32 s2, $0x0;
	p0 =	sgt.u32 s4, $0x7F  }
.Ltmp16:
0x125: {  	s5 =	sshrl.u32 @!p0 s4, $0x3;
	(pc) =	sbr.rel @!p1 .LBB2_23-.Ltmp16, $4  }
0x126: {  	s0 =	simm.s32 $0xE0;
	s4 =	sand.u32 @!p0 $0x7, s4;
	s5 =	sadd.s32 @!p0 s1, s5  }
0x127: {  	[hbm4b:s5+s4] =	stream.linear.scatter @!p0 [tilespmem:s0], [sflag:$0x5], $0x1, $0x38;
	[tilespmem:$0xF30] =	vst v63  }
0x128: {  	s5 =	simm.s32 $0x0  }
0x129: {  	s4 =	simm.s32 $0xC1;
	s5 =	simm.s32 @!p0 $0x4  }
.LBB2_22:
0x12a: {  	v0 =	vld.msk [tilespmem:s4+$0x0], $0x1;
	s2 =	sadd.s32 $0xFFFFFFFF, s2;
	s3 =	sadd.s32 s3, s5  }
0x12b: {  	p0 =	sne.s32 s2, $0x0;
	_ =	sdelay $0x3  }
0x12c: {  	(v2sf) =	vpush v0, $0x0;
	_ =	sdelay $0xe  }
.Ltmp17:
0x12d: {  	s6 =	spop (v2sf);
	(pc) =	sbr.rel @p0 .LBB2_22-.Ltmp17, $4  }
0x12e: {  	s5 =	simm.s32 $0x0;
	p1 =	sgt.u32 s6, $0x7F  }
0x12f: {  	s0 =	sadd.s32 $0x1, s0;
	s5 =	simm.s32 @!p1 $0x4;
	s7 =	sshrl.u32 @!p1 s6, $0x3  }
0x130: {  	s4 =	sadd.s32 $0x1, s4;
	s6 =	sand.u32 @!p1 $0x7, s6;
	s7 =	sadd.s32 @!p1 s1, s7  }
0x131: {  	[hbm4b:s7+s6] =	stream.linear.scatter @!p1 [tilespmem:s0], [sflag:$0x5], $0x1, $0x38;
	[tilespmem:$0xF30] =	vst v63  }
.LBB2_23:
0x132: {  	s0 =	sadd.s32 s3, s5  }
0x133: {  	s3 =	sshrl.u32 s0, $0x2  }
.LBB2_24:
0x134: {  	s0 =	simm.s32 $0x5  }
0x135: {  	_ =	swait.ge [sflag:s0], s3  }
0x136: {  	s1 =	ssub.s32 $0x0, s3;
	[sflag:s0] =	ssyncset.done $0x0  }
0x137: {  	[sflag:s0] =	ssyncadd.s32 s1  }
0x138: {  	[sflag:s0] =	ssyncpa.u1 $0x1  }
0x139: {  	s29 =	simm.s32 $0x1;
	_ =	sfence  }
0x13a: {  	s30 =	simm.s32 $0x2;
	[sflag:s29] =	ssyncpa.u1 $0x1  }
0x13b: {  	[sflag:s30] =	ssyncpa.u1 $0x1  }
0x13c: {  	_ =	strace $0x90000047  }
0x13d: {  	[bflag:$0x2] =	sbarrier.arrive $0xFFFF  }
0x13e: {  	s31 =	rddreg [dreg:$0x2]  }
0x13f: {  	s0 =	sadd.s32 $0x100000, s31  }
0x140: {  	[sflag:s0] =	ssyncadd.tile.s32 $0x1;
	_ =	shalt  }
.Lfunc_end2:
_tile_overlayer_lowered:
.L_overlay_start_2:
0x141: {  	(tag) =	ssettag $0x2  }
0x142: {  	s0 =	rddreg [dreg:$0x0];
	s2 =	stileid.u32  }
0x143: {  	s1 =	rddreg [dreg:$0x1];
	p0 =	sne.s32 s2, $0x0  }
0x144: {  	s3 =	rddreg [dreg:$0x2];
	[bflag:$0x3] =	sbarrier.arrive $0xFFFF;
	s2 =	simm.s32 @!p0 $0x1C01  }
0x145: {  	[timem:s3], [sflag:s2] =	dma.local @!p0 [hbm:s0], s1  }
0x146: {  	s0 =	simm.s32 @!p0 $0x1  }
0x147: {  	_ =	swait.ge @!p0 [sflag:s0], s1  }
0x148: {  	s1 =	ssub.s32 @!p0 $0x0, s1;
	[sflag:s0] =	ssyncset.done @!p0 $0x0  }
0x149: {  	[sflag:s0] =	ssyncadd.s32 @!p0 s1  }
0x14a: {  	[bflag:$0x3] =	sbarrier.arrive $0xFFFF  }
0x14b: {  	_ =	shalt  }

// kernel: scatter_offload_async_start
scs
__scs_entry_jumppad:
0x0: {  	(pc) =	sbr.rel $0x88, $3  }
0x1: {  	(tag) =	ssettag $0x0;
	lr =	simm.s32 $0x1  }
0x2: {  	[smem:$0x3F74] =	sst lr;
	_ =	strace $0xD0000000  }
0x3: {  	_ = 	snop  }
0x4: {  	_ = 	snop  }
0x5: {  	_ = 	snop  }
0x6: {  	_ = 	snop  }
0x7: {  	_ = 	snop  }
__scs_overlays_trampoline_lowered:
0x8: {  	[smem:$0x3F83] =	sst s0  }
0x9: {  	[smem:$0x3F84] =	sst s1  }
0xa: {  	[smem:$0x3F85] =	sst s2  }
0xb: {  	[smem:$0x3F86] =	sst s3  }
0xc: {  	[smem:$0x3F87] =	sst s4  }
0xd: {  	[smem:$0x3F88] =	sst s5  }
0xe: {  	[smem:$0x3F89] =	sst s6  }
0xf: {  	[smem:$0x3F8A] =	sst s7  }
0x10: {  	[smem:$0x3F8B] =	sst s8  }
0x11: {  	[smem:$0x3F8C] =	sst s9;
	s0 =	simm.s32 @!p0 $0x0  }
0x12: {  	s1 =	sld [smem:$0x3F72];
	s0 =	simm.s32 @p0 $0x1  }
0x13: {  	[smem:$0x3F8D] =	sst s0;
	s0 =	simm.s32 @!p1 $0x0  }
0x14: {  	s2 =	sld [smem:$0x3F71];
	s0 =	simm.s32 @p1 $0x1  }
0x15: {  	[smem:$0x3F8E] =	sst s0;
	s0 =	simm.s32 @!p2 $0x0  }
0x16: {  	s3 =	sld [smem:$0x3FDB];
	s0 =	simm.s32 @p2 $0x1  }
0x17: {  	s4 =	simm.s32 $0x1BF5;
	[smem:$0x3F90] =	sst s0  }
0x18: {  	s0 =	sld [smem:$0x3F73];
	_ =	swait.ge [sflag:s4], $0x0  }
0x19: {  	s7 =	sld [smem:$0x3F74]  }
0x1a: {  	s8 =	sadd.s32 $0xFFFFE003, lr  }
0x1b: {  	s9 =	sadd.s32 $0xFFFFFEF7, lr;
	s5 =	simm.s32 $0xFFFFFFFF;
	p2 =	slt.u32 s8, $0xFFFFF086  }
0x1c: {  	p1 =	slt.u32 s9, $0xF7A;
	s5 =	simm.s32 @!p2 $0x0  }
0x1d: {  	s5 =	simm.s32 @p1 $0x1;
	p0 =	seq.s32 s7, s2  }
0x1e: {  	s7 =	smul.u32 @!p0 $0xF7A, s2;
	p2 =	seq.s32 @!p0 s5, $0x0  }
0x1f: {  	s9 =	smul.u32 $0xF7A, s1;
	s8 =	simm.s32 @!p0 $0x1BF5;
	p2 =	por !p2, p0  }
0x20: {  	[sflag:s8] =	ssyncset.s32 @!p0 $0xFFFFF086;
	s6 =	sadd.s32 @!p0 s3, s7;
	s7 =	simm.s32 @!p0 $0x108  }
0x21: {  	s3 =	sadd.s32 s3, s9;
	s6 =	sadd.s32 @!p0 $0x88, s6;
	s7 =	simm.s32 @p2 $0x1082  }
0x22: {  	[simem:s7], [sflag:s8] =	dma.local @!p0 [hbm:s6], $0xF7A  }
0x23: {  	s9 =	sor.u32 $0xD0000000, s2;
	s6 =	simm.s32 $0x108;
	_ =	swait.ge @!p0 [sflag:s8], $0x0  }
0x24: {  	s3 =	sadd.s32 $0x88, s3;
	s6 =	simm.s32 @!p1 $0x1082;
	[sflag:s4] =	ssyncset.s32 $0xFFFFF086  }
0x25: {  	[simem:s6], [sflag:s4] =	dma.local [hbm:s3], $0xF7A  }
0x26: {  	[smem:$0x3F74] =	sst s1;
	(tag) =	ssettag s2;
	_ =	strace s9  }
0x27: {  	s1 =	sld [smem:$0x3F84]  }
0x28: {  	s2 =	sld [smem:$0x3F85]  }
0x29: {  	s4 =	sld [smem:$0x3F87]  }
0x2a: {  	p0 =	seq.s32 s5, $0x0;
	s5 =	sld [smem:$0x3F88]  }
0x2b: {  	s6 =	sld [smem:$0x3F89]  }
0x2c: {  	s7 =	sld [smem:$0x3F8A]  }
0x2d: {  	s3 =	simm.s32 $0x108;
	s8 =	sld [smem:$0x3F8B]  }
0x2e: {  	s3 =	simm.s32 @!p0 $0x1082;
	s9 =	sld [smem:$0x3F8C]  }
0x2f: {  	lr =	sadd.s32 s0, s3;
	s0 =	sld [smem:$0x3F83]  }
0x30: {  	s3 =	sld [smem:$0x3F86]  }
0x31: {  	[smem:$0x3F8F] =	sst s10  }
0x32: {  	s10 =	sld [smem:$0x3F8D];
	_ =	sdelay $0x3  }
0x33: {  	p0 =	seq.s32 s10, $0x1;
	s10 =	sld [smem:$0x3F8F];
	_ =	sdelay $0x3  }
0x34: {  	[smem:$0x3F8F] =	sst s10  }
0x35: {  	s10 =	sld [smem:$0x3F8E];
	_ =	sdelay $0x3  }
0x36: {  	p1 =	seq.s32 s10, $0x1;
	s10 =	sld [smem:$0x3F8F];
	_ =	sdelay $0x3  }
0x37: {  	[smem:$0x3F8F] =	sst s10  }
0x38: {  	s10 =	sld [smem:$0x3F90]  }
0x39: {  	_ = 	snop;
	(pc) =	sbr.ind lr, $3  }
0x3a: {  	_ = 	snop  }
0x3b: {  	_ = 	snop  }
0x3c: {  	p2 =	seq.s32 s10, $0x1;
	s10 =	sld [smem:$0x3F8F]  }
0x3d: {  	_ =	shalt  }
0x3e: {  	_ =	shalt  }
0x3f: {  	_ =	shalt  }
0x40: {  	_ =	shalt  }
0x41: {  	_ =	shalt  }
0x42: {  	_ =	shalt  }
0x43: {  	_ =	shalt  }
0x44: {  	_ =	shalt  }
0x45: {  	_ =	shalt  }
0x46: {  	_ =	shalt  }
0x47: {  	_ =	shalt  }
0x48: {  	_ =	shalt  }
0x49: {  	_ =	shalt  }
0x4a: {  	_ =	shalt  }
0x4b: {  	_ =	shalt  }
0x4c: {  	_ =	shalt  }
0x4d: {  	_ =	shalt  }
0x4e: {  	_ =	shalt  }
0x4f: {  	_ =	shalt  }
0x50: {  	_ =	shalt  }
0x51: {  	_ =	shalt  }
0x52: {  	_ =	shalt  }
0x53: {  	_ =	shalt  }
0x54: {  	_ =	shalt  }
0x55: {  	_ =	shalt  }
0x56: {  	_ =	shalt  }
0x57: {  	_ =	shalt  }
0x58: {  	_ =	shalt  }
0x59: {  	_ =	shalt  }
0x5a: {  	_ =	shalt  }
0x5b: {  	_ =	shalt  }
0x5c: {  	_ =	shalt  }
0x5d: {  	_ =	shalt  }
0x5e: {  	_ =	shalt  }
0x5f: {  	_ =	shalt  }
0x60: {  	_ =	shalt  }
0x61: {  	_ =	shalt  }
0x62: {  	_ =	shalt  }
0x63: {  	_ =	shalt  }
0x64: {  	_ =	shalt  }
0x65: {  	_ =	shalt  }
0x66: {  	_ =	shalt  }
0x67: {  	_ =	shalt  }
0x68: {  	_ =	shalt  }
0x69: {  	_ =	shalt  }
0x6a: {  	_ =	shalt  }
0x6b: {  	_ =	shalt  }
0x6c: {  	_ =	shalt  }
0x6d: {  	_ =	shalt  }
0x6e: {  	_ =	shalt  }
0x6f: {  	_ =	shalt  }
0x70: {  	_ =	shalt  }
0x71: {  	_ =	shalt  }
0x72: {  	_ =	shalt  }
0x73: {  	_ =	shalt  }
0x74: {  	_ =	shalt  }
0x75: {  	_ =	shalt  }
0x76: {  	_ =	shalt  }
0x77: {  	_ =	shalt  }
0x78: {  	_ =	shalt  }
0x79: {  	_ =	shalt  }
0x7a: {  	_ =	shalt  }
0x7b: {  	_ =	shalt  }
0x7c: {  	_ =	shalt  }
0x7d: {  	_ =	shalt  }
0x7e: {  	_ =	shalt  }
0x7f: {  	_ =	shalt  }
0x80: {  	_ =	shalt  }
0x81: {  	_ =	shalt  }
0x82: {  	_ =	shalt  }
0x83: {  	_ =	shalt  }
0x84: {  	_ =	shalt  }
0x85: {  	_ =	shalt  }
0x86: {  	_ =	shalt  }
0x87: {  	_ =	shalt  }
.Lfunc_end0:
.L_simem_size_0:
called_computation_lowered:
.L_overlay_start_0:
0x88: {  	s0 =	sld [smem:$0x3FD9]  }
0x89: {  	s1 =	sld [smem:$0x3FFE];
	_ =	sdelay $0x3  }
0x8a: {  	s0 =	sadd.s32 s1, s0  }
0x8b: {  	[smem:$0x3F9B] =	sst s0  }
0x8c: {  	_ = 	snop  }
0x8d: {  	(tm) =	ssettm $0x1  }
0x8e: {  	s15 =	sld [smem:$0x3FFB];
	_ =	sdelay $0x3  }
0x8f: {  	_ =	strace s15  }
0x90: {  	s0 =	sld [smem:$0x3FFC];
	_ =	sdelay $0x3  }
0x91: {  	_ =	strace s0  }
0x92: {  	s0 =	sld [smem:$0x3FFD];
	_ =	sdelay $0x3  }
0x93: {  	_ =	strace s0  }
0x94: {  	_ =	strace $0x8FFFFFFF  }
0x95: {  	s16 =	sld [smem:$0x3FDB];
	_ =	sdelay $0x1  }
0x96: {  	s17 =	simm.s32 $_scs_section_size  }
0x97: {  	s2 =	simm.s32 $_size__tile_overlayer_lowered;
	s3 =	simm.s32 $_tile_overlayer_lowered  }
0x98: {  	s20 =	simm.s32 $0x1BFF;
	s19 =	sshll.u32 s3, $0x1;
	s0 =	sadd.s32 s17, s16  }
0x99: {  	s4 =	simm.s32 $0x0;
	s18 =	sshll.u32 s2, $0x1;
	s2 =	sadd.s32 s19, s0  }
0x9a: {  	[timem:s4], [sflag:s20] =	dma.local [hbm:s2], s18  }
0x9b: {  	_ =	swait.ge [sflag:s20], s18  }
0x9c: {  	s1 =	ssub.s32 $0x0, s18;
	[sflag:s20] =	ssyncset.done $0x0  }
0x9d: {  	[sflag:s20] =	ssyncadd.s32 s1;
	_ =	sdelay $0x1  }
0x9e: {  	s21 =	simm.s32 $0x1B8B  }
0x9f: {  	_ =	swait.ge [sflag:s21], $0x1  }
0xa0: {  	[sflag:s21] =	ssyncset.done $0x0  }
0xa1: {  	s23 =	simm.s32 $0x1B8E;
	s22 =	sld [smem:$0x3FFE];
	[sflag:s21] =	ssyncadd.s32 $0xFFFFFFFF  }
0xa2: {  	s24 =	simm.s32 $execute0_lowered;
	[smem:$0x3FD2] =	sst s23  }
0xa3: {  	s2 =	sshll.u32 s24, $0x1;
	_ =	strace $0x80000049;
	[dreg:$0x1] =	wrdreg $0xFFFFFFFF  }
0xa4: {  	s25 =	simm.s32 $_size_execute0_lowered;
	s0 =	sadd.s32 s0, s2;
	[dreg:$0x0] =	wrdreg $0x0  }
0xa5: {  	s2 =	sshll.u32 s25, $0x1;
	[dreg:$0x2] =	wrdreg s0  }
0xa6: {  	[dreg:$0x3] =	wrdreg s2  }
0xa7: {  	[dreg:$0x4] =	wrdreg $0xC0  }
0xa8: {  	_ =	task [dreg:s4], $0x5FFFF  }
0xa9: {  	[dreg:$0x1] =	wrdreg $0xFFFFFFFF  }
0xaa: {  	[dreg:$0x0] =	wrdreg $0x60  }
0xab: {  	[dreg:$0x2] =	wrdreg s22  }
0xac: {  	[dreg:$0x3] =	wrdreg $0x9  }
0xad: {  	_ =	task.clear_ibuf [dreg:s4], $0x4FFFF;
	_ =	strace $0x90000049  }
0xae: {  	s26 =	simm.s32 $0x9;
	_ =	strace $0x8000004B  }
0xaf: {  	_ =	swait.ge [sflag:s26], $0x1  }
0xb0: {  	[sflag:s26] =	ssyncadd.s32 $0xFFFFFFFF  }
0xb1: {  	_ =	strace $0x9000004B  }
0xb2: {  	_ =	sfence  }
0xb3: {  	s28 =	sld [smem:$0x0];
	_ =	sdelay $0x1  }
0xb4: {  	s29 =	srdreg.scid  }
0xb5: {  	s30 =	sshll.u32 s29, $0xD;
	s31 =	sshrl.u32 s29, $0x2  }
0xb6: {  	s1 =	sand.u32 $0x1, s29;
	s2 =	sand.u32 $0x4000, s30;
	s0 =	sadd.s32 s31, s28  }
0xb7: {  	s1 =	sor.u32 s2, s1;
	s0 =	sshll.u32 s0, $0x11  }
0xb8: {  	s0 =	sor.u32 s0, s1  }
0xb9: {  	s0 =	sadd.s32 $0x8F2B, s0  }
0xba: {  	[sflag:s0] =	ssyncadd.remote.s32 $0x1  }
0xbb: {  	_ =	sfence.sel $0xFFFF  }
0xbc: {  	[dreg:$0x0] =	wrdreg $0xFFFFFFFF;
	(pc) =	sbr.abs _section_cstart, $3  }
0xbd: {  	[dreg:$0x1] =	wrdreg $0xFFFFFFFF  }
0xbe: {  	_ =	task.clear_ibuf [dreg:s4], $0x2FFFF;
	_ =	strace $0x9FFFFFFF  }
0xbf: {  	(tm) =	ssettm $0x7FFFFFFF  }
tec
execute0_lowered:
.L_overlay_start_1:
0x0: {  	(tag) =	ssettag $0x1  }
0x1: {  	s30 =	rddreg [dreg:$0x0];
	_ =	strace $0x8000004A;
	s0 =	simm.s32 $0x1  }
0x2: {  	s9 =	simm.s32 $0x108;
	v0 =	vimm.s32 $0x0;
	[sflag:s0] =	ssyncpa.u1 $0x0  }
0x3: {  	[tilespmem:s9+$0x70] =	vst v0  }
0x4: {  	[tilespmem:s9+$0x60] =	vst v0  }
0x5: {  	[tilespmem:s9+$0x50] =	vst v0  }
0x6: {  	[tilespmem:s9+$0x40] =	vst v0  }
0x7: {  	[tilespmem:s9+$0x30] =	vst v0  }
0x8: {  	s1 =	sadd.s32 $0x28A00, s30;
	[tilespmem:s9+$0x20] =	vst v0  }
0x9: {  	s5 =	sadd.s32 $0x1800, s30;
	s6 =	sadd.s32 $0x600, s30;
	s0 =	simm.s32 $0x40;
	[tilespmem:s9+$0x10] =	vst v0  }
.LBB2_1:
0xa: {  	s0 =	sadd.s32 $0x40, s0;
	[tilespmem:s9+$0x0] =	vst v0;
	s9 =	sadd.s32 $0x80, s9  }
0xb: {  	p0 =	slt.u32 s0, $0x3C40;
	[tilespmem:s9+$0x70] =	vst v0  }
0xc: {  	[tilespmem:s9+$0x60] =	vst v0  }
.Ltmp0:
0xd: {  	[tilespmem:s9+$0x50] =	vst v0;
	(pc) =	sbr.rel @p0 .LBB2_1-.Ltmp0, $4  }
0xe: {  	[tilespmem:s9+$0x40] =	vst v0  }
0xf: {  	[tilespmem:s9+$0x30] =	vst v0  }
0x10: {  	[tilespmem:s9+$0x20] =	vst v0  }
0x11: {  	[tilespmem:s9+$0x10] =	vst v0  }
0x12: {  	s3 =	stileid.u32  }
0x13: {  	s2 =	sshll.u32 s3, $0x1;
	s0 =	smin.u32 s3, $0xA  }
0x14: {  	s0 =	sadd.s32 s0, s2  }
0x15: {  	p0 =	slt.u32 s3, $0xA;
	s7 =	smul.u32 $0xF0, s0;
	s0 =	simm.s32 $0x2D0  }
0x16: {  	s0 =	simm.s32 @!p0 $0x1E0  }
0x17: {  	s0 =	sadd.s32 s0, s7  }
0x18: {  	s8 =	smin.u32 s0, $0x2710  }
0x19: {  	s0 =	ssub.s32 s8, s7  }
0x1a: {  	p0 =	sgt.s32 s0, $0x0  }
0x1b: {  	s0 =	simm.s32 @!p0 $0x0  }
0x1c: {  	s4 =	simm.s32 $0x2;
	s29 =	smul.u32 $0x8889, s0  }
0x1d: {  	s10 =	simm.s32 $0x7;
	s31 =	simm.s32 $0x8;
	s11 =	simm.s32 $0x9  }
0x1e: {  	s20 =	simm.s32 $0x0;
	[dreg:$0x2] =	wrdreg s2;
	s2 =	sshrl.u32 s29, $0x17  }
0x1f: {  	s16 =	simm.s32 $0xA;
	s18 =	simm.s32 $0x0;
	s12 =	smul.u32 $0xF0, s2  }
.Ltmp1:
0x20: {  	[tilespmem:s9+$0x0] =	vst v0;
	v0 =	vimm.s32 $0xFFFFFFFF;
	s19 =	simm.s32 $0x0;
	[sflag:s4] =	ssyncpa.u1 $0x0;
	(pc) =	sbr.rel .LBB2_3-.Ltmp1, $4  }
0x21: {  	[tilespmem:$0xF208] =	vst v0;
	[sflag:s10] =	ssyncpa.u1 $0x0;
	p0 =	sne.s32 s0, s12;
	s0 =	simm.s32 $0x1  }
0x22: {  	s14 =	sshll.u32 s3, $0x8;
	[sflag:s31] =	ssyncpa.u1 $0x0;
	s0 =	simm.s32 @!p0 $0x0  }
0x23: {  	[sflag:s11] =	ssyncpa.u1 $0x0;
	s17 =	smov.u32 s7;
	s13 =	sadd.s32 s2, s0  }
0x24: {  	v0 =	vlaneseq.u32;
	s12 =	simm.s32 $0x1;
	p0 =	por $0x0, $0x0;
	s15 =	sadd.s32 $0x1, s13  }
.LBB2_18:
0x25: {  	s0 =	sshrl.u32 s29, $0x2  }
.LBB2_20:
0x26: {  	_ =	swait.ge [sflag:s16], s0  }
0x27: {  	s31 =	ssub.s32 $0x0, s0;
	v1 =	vmov s22;
	vm0 =	veq.s32 v0, $0x0;
	[sflag:s16] =	ssyncset.done $0x0  }
0x28: {  	vm15 =	veq.s32 v0, $0x2;
	v1 =	vsel vm0, s28, v1;
	[sflag:s16] =	ssyncadd.s32 s31  }
0x29: {  	v1 =	vsel vm15, s20, v1;
	[sflag:s16] =	ssyncpa.u1 $0x1  }
0x2a: {  	[tilespmem:$0xF208] =	vst v1  }
.LBB2_21:
0x2b: {  	s0 =	sadd.s32 $0xF0, s17  }
0x2c: {  	s2 =	smov.u32 s7;
	p1 =	slt.s32 s0, s8  }
0x2d: {  	s2 =	smov.u32 @p1 s0;
	p1 =	sne.s32 s19, s15  }
.Ltmp2:
0x2e: {  	_ = 	snop;
	(pc) =	sbr.rel @!p1 .LBB2_22-.Ltmp2, $3  }
0x2f: {  	_ =	sdelay $0x1  }
0x30: {  	s20 =	smov.u32 s18;
	s31 =	sadd.s32 $0x1, s19;
	s18 =	smov.u32 s17  }
0x31: {  	p0 =	por !p0, !p0;
	s19 =	smov.u32 s31;
	s17 =	smov.u32 s2  }
.LBB2_3:
0x32: {  	p1 =	sge.u32 s19, s13  }
0x33: {  	s0 =	smulhi.u32 @!p1 $0xAAAAAAAB, s19  }
0x34: {  	s2 =	smov.u32 s17;
	p2 =	sgt.s32 @!p1 s17, $0x2620  }
0x35: {  	s4 =	sshra.s32 @!p1 s17, $0x1F;
	p2 =	por !p2, p1;
	s0 =	sshrl.u32 @!p1 s0, $0x1  }
0x36: {  	s4 =	sand.u32 @!p1 s4, s17;
	s2 =	simm.s32 @p2 $0x2620;
	s0 =	smul.u32 @!p1 $0x3, s0  }
0x37: {  	s2 =	ssub.s32 @!p1 s2, s4  }
0x38: {  	s2 =	sadd.s32 @!p1 $0xFFFFD9E0, s2;
	s0 =	ssub.s32 @!p1 s19, s0  }
0x39: {  	s4 =	sshll.u32 @!p1 s2, $0x2;
	p2 =	sgt.s32 @!p1 s2, $0xEF;
	s0 =	smul.u32 @!p1 $0x3C0, s0  }
0x3a: {  	s21 =	sand.u32 @!p1 $0x7, s17;
	s2 =	ssub.s32 @!p1 $0x3C0, s4;
	p2 =	por !p2, p1  }
0x3b: {  	s4 =	sshrl.u32 @!p1 s17, $0x3;
	s2 =	sshrl.u32 @!p1 s2, $0x2;
	s0 =	sshrl.u32 @!p1 s0, $0x2  }
0x3c: {  	s4 =	sadd.s32 @!p1 s6, s4;
	s2 =	simm.s32 @!p2 $0x0;
	s0 =	sadd.s32 @!p1 $0x10238, s0  }
0x3d: {  	[tilespmem:s0], [sflag:$0x8] =	stream.linear.gather @!p1 [hbm4b:s4+s21], s2, $0x38;
	[tilespmem:$0x1F6E8] =	vst v63  }
0x3e: {  	s0 =	sadd.s32 $0xFFFFFFFF, s19  }
0x3f: {  	p1 =	sge.u32 s0, s13  }
0x40: {  	p2 =	sgt.s32 @!p1 s18, $0x2620  }
0x41: {  	s2 =	smov.u32 s18;
	s4 =	sshra.s32 @!p1 s18, $0x1F;
	p2 =	por !p2, p1  }
0x42: {  	s4 =	sand.u32 @!p1 s4, s18;
	s2 =	simm.s32 @p2 $0x2620  }
0x43: {  	s2 =	ssub.s32 @!p1 s2, s4  }
0x44: {  	s2 =	sadd.s32 @!p1 $0xFFFFD9E0, s2  }
0x45: {  	s21 =	sand.u32 @!p1 $0x1, s0;
	s4 =	sshll.u32 @!p1 s2, $0x2  }
0x46: {  	p2 =	sgt.s32 @!p1 s2, $0xEF;
	s2 =	ssub.s32 @!p1 $0x3C0, s4;
	s4 =	smulhi.u32 @!p1 $0xAAAAAAAB, s0  }
0x47: {  	s23 =	smul.u32 @!p1 $0x3C0, s21;
	p2 =	por !p2, p1;
	s2 =	sshrl.u32 @!p1 s2, $0x2  }
0x48: {  	s22 =	simm.s32 @!p1 $0x8;
	s2 =	simm.s32 @!p2 $0x0;
	s4 =	sshrl.u32 @!p1 s4, $0x1  }
0x49: {  	s23 =	sshrl.u32 @!p1 s23, $0x2;
	_ =	swait.ge @!p1 [sflag:s22], s2;
	s4 =	smul.u32 @!p1 $0x3, s4  }
0x4a: {  	s23 =	sor.u32 @!p1 $0x10508, s23;
	s24 =	ssub.s32 @!p1 $0x0, s2;
	[sflag:s22] =	ssyncset.done @!p1 $0x0  }
0x4b: {  	[sflag:s22] =	ssyncadd.s32 @!p1 s24;
	s22 =	sshrl.u32 @!p1 s18, $0x3;
	s0 =	ssub.s32 @!p1 s0, s4  }
0x4c: {  	s24 =	sand.u32 @!p1 $0x7, s18;
	s22 =	sadd.s32 @!p1 s30, s22;
	s0 =	smul.u32 @!p1 $0x3C0, s0  }
0x4d: {  	[tilespmem:s23], [sflag:$0x9] =	stream.linear.gather @!p1 [hbm4b:s22+s24], s2, $0x38;
	[tilespmem:$0x1F6E8] =	vst v63  }
0x4e: {  	s4 =	ssub.s32 @!p1 $0x2710, s18;
	s2 =	smul.u32 @!p1 $0x1E000, s21  }
0x4f: {  	p2 =	slt.s32 @!p1 s4, $0xF0  }
0x50: {  	p2 =	por !p2, p1;
	s0 =	sshrl.u32 @!p1 s0, $0x2;
	s2 =	sshrl.u32 @!p1 s2, $0x2  }
0x51: {  	s4 =	simm.s32 @p2 $0xF0;
	s0 =	sadd.s32 @!p1 $0x10238, s0;
	s2 =	sor.u32 @!p1 $0x106E8, s2  }
0x52: {  	[tilespmem:s2], [sflag:$0x7] =	stream.indirect.gather @!p1 [hbm4b:s5+s4], $0x80, s0, s4, $0xb8;
	[tilespmem:$0x1F6E8] =	vst v63  }
0x53: {  	p1 =	slt.u32 s19, $0x2  }
.Ltmp3:
0x54: {  	_ = 	snop;
	(pc) =	sbr.rel @p1 .LBB2_21-.Ltmp3, $1  }
0x55: {  	_ =	sdelay $0x3  }
0x56: {  	p1 =	sgt.s32 s20, $0x2620;
	s0 =	smov.u32 s20  }
0x57: {  	s2 =	sshra.s32 s20, $0x1F;
	s4 =	ssub.s32 $0x2710, s20;
	s0 =	simm.s32 @!p1 $0x2620  }
0x58: {  	s2 =	sand.u32 s2, s20;
	p1 =	slt.s32 s4, $0xF0;
	s21 =	smov.u32 s4  }
0x59: {  	s0 =	ssub.s32 s0, s2;
	s21 =	simm.s32 @!p1 $0xF0  }
0x5a: {  	s0 =	sadd.s32 $0xFFFFD9E0, s0;
	s25 =	sshll.u32 s21, $0x7  }
0x5b: {  	s26 =	sshll.u32 s0, $0x2;
	s2 =	sand.u32 $0x3FFFFF80, s25  }
0x5c: {  	p1 =	sgt.s32 s0, $0xEF;
	s29 =	ssub.s32 $0x3C0, s26;
	_ =	swait.ge [sflag:s10], s2  }
0x5d: {  	s2 =	ssub.s32 $0x0, s2;
	[sflag:s10] =	ssyncset.done $0x0;
	s0 =	sshrl.u32 s29, $0x2  }
0x5e: {  	[sflag:s10] =	ssyncadd.s32 s2;
	s0 =	simm.s32 @p1 $0x0  }
0x5f: {  	_ =	swait.ge [sflag:s11], s0  }
0x60: {  	s0 =	ssub.s32 $0x0, s0;
	[sflag:s11] =	ssyncset.done $0x0  }
0x61: {  	[sflag:s11] =	ssyncadd.s32 s0  }
0x62: {  	v1 =	vld [tilespmem:$0xF208];
	_ =	sdelay $0x4  }
0x63: {  	(v2sf) =	vpush v1, $0x0  }
0x64: {  	(v2sf) =	vpush v1, $0x1  }
0x65: {  	(v2sf) =	vpush v1, $0x2;
	_ =	sdelay $0x3  }
0x66: {  	s0 =	sadd.s32 $0xF0, s20  }
0x67: {  	p1 =	slt.s32 s8, s0  }
0x68: {  	s0 =	smov.u32 @p1 s8;
	p1 =	sgt.s32 s4, $0x0  }
0x69: {  	s24 =	ssub.s32 s0, s20;
	s4 =	simm.s32 @!p1 $0x0  }
0x6a: {  	p1 =	slt.s32 s4, s24  }
0x6b: {  	s24 =	smov.u32 @p1 s4  }
0x6c: {  	s23 =	simm.s32 $0x1;
	p1 =	slt.s32 s24, $0x1  }
.Ltmp4:
0x6d: {  	s23 =	simm.s32 @!p0 $0x0;
	(pc) =	sbr.rel @p1 .LBB2_8-.Ltmp4, $4  }
0x6e: {  	s31 =	smul.u32 $0x3C0, s23  }
0x6f: {  	s25 =	spop (v2sf)  }
0x70: {  	s0 =	sshrl.u32 s31, $0x2;
	s28 =	spop (v2sf)  }
0x71: {  	s21 =	sor.u32 $0x10508, s0;
	s20 =	spop (v2sf)  }
0x72: {  	s0 =	smin.u32 s24, $0x10  }
0x73: {  	v1 =	vmov s0  }
0x74: {  	p2 =	sgt.s32 s24, $0x10;
	vm1 =	vgt.u32 v1, v0  }
.Ltmp5:
0x75: {  	_ = 	snop;
	(pc) =	sbr.rel @!p2 .LBB2_7-.Ltmp5, $2  }
0x76: {  	_ =	sdelay $0x2  }
0x77: {  	s26 =	simm.s32 $0x10;
	s29 =	sadd.s32 $0xFFFFFFF0, s24;
	s22 =	smov.u32 s21;
	vm0 =	vmmov vm1  }
.LBB2_6:
0x78: {  	s0 =	smin.u32 s29, $0x10;
	s26 =	sadd.s32 $0x10, s26;
	v1 =	vld.msk [tilespmem:s22+$0x0 ss:$0x1], vm1  }
0x79: {  	v2 =	vmov s0;
	p2 =	slt.s32 s26, s24  }
0x7a: {  	vm1 =	vgt.u32 v2, v0  }
.Ltmp6:
0x7b: {  	(pc) =	sbr.rel @p2 .LBB2_6-.Ltmp6, $3  }
0x7c: {  	_ =	sdelay $0x1  }
0x7d: {  	v1 =	vshll.u32 v1, $0x4  }
0x7e: {  	s29 =	sadd.s32 $0xFFFFFFF0, s29;
	[tilespmem:s22+$0x0] =	vst.msk vm0, v1;
	s22 =	sadd.s32 $0x10, s22;
	vm0 =	vmmov vm1  }
.LBB2_7:
0x7f: {  	_ =	sdelay $0x4  }
0x80: {  	v1 =	vld.msk [tilespmem:s22+$0x0 ss:$0x1], vm1;
	_ =	sdelay $0x4  }
0x81: {  	v1 =	vshll.u32 v1, $0x4  }
0x82: {  	[tilespmem:s22+$0x0] =	vst.msk vm0, v1  }
.LBB2_8:
0x83: {  	s0 =	sand.u32 $0x1, s19  }
0x84: {  	s0 =	smul.u32 $0xF0, s0  }
0x85: {  	p2 =	sne.s32 s28, $0xFFFFFFFF  }
0x86: {  	v1 =	vld.msk @!p2 [tilespmem:s0+$0x10508], $0x1;
	_ =	sdelay $0x4  }
0x87: {  	(v2sf) =	vpush @!p2 v1, $0x0;
	_ =	sdelay $0xc  }
.Ltmp7:
0x88: {  	_ = 	snop;
	(pc) =	sbr.rel @p1 .LBB2_19-.Ltmp7, $4  }
0x89: {  	_ = 	snop  }
0x8a: {  	s26 =	spop @!p2 (v2sf)  }
0x8b: {  	s20 =	simm.s32 @!p2 $0x0;
	s22 =	smov.u32 s26  }
0x8c: {  	[sflag:s16] =	ssyncpa.u1 $0x0;
	s26 =	smov.u32 @p2 s25;
	s22 =	smov.u32 @p2 s28  }
0x8d: {  	v1 =	vld.msk [tilespmem:s21+$0x0], $0x1;
	_ =	sdelay $0x4  }
0x8e: {  	(v2sf) =	vpush v1, $0x0;
	_ =	sdelay $0xe  }
0x8f: {  	s9 =	smov.u32 s30;
	s0 =	smul.u32 $0x1E000, s23;
	s30 =	spop (v2sf)  }
0x90: {  	s24 =	ssub.s32 $0x0, s24;
	p1 =	seq.s32 s26, s30  }
0x91: {  	s28 =	sadd.s32 $0x1, s24;
	s0 =	sshrl.u32 s0, $0x2;
	p2 =	sgt.s32 @!p1 s26, $0x0  }
0x92: {  	s23 =	sor.u32 $0x10728, s0;
	s0 =	smov.u32 s26;
	p2 =	por !p2, p1  }
0x93: {  	s0 =	simm.s32 @p2 $0x0;
	p2 =	seq.s32 s28, $0x0  }
.Ltmp8:
0x94: {  	_ = 	snop;
	(pc) =	sbr.rel @p2 .LBB2_11-.Ltmp8, $4  }
0x95: {  	_ = 	snop  }
0x96: {  	s25 =	simm.s32 $0x0;
	s31 =	simm.s32 @!p1 $0x1;
	s2 =	smin.u32 @!p1 s0, $0x70  }
0x97: {  	s29 =	sadd.s32 $0x1, s21;
	s31 =	smov.u32 @p1 s25;
	s4 =	sand.u32 @!p1 $0x78, s2  }
0x98: {  	s0 =	simm.s32 @!p1 $0x7988;
	s2 =	sand.u32 @!p1 $0x7, s2;
	s4 =	sadd.s32 @!p1 s1, s4  }
.LBB2_10:
0x99: {  	s3 =	smov.u32 s31  }
0x9a: {  	[tilespmem:s0], [sflag:$0x2] =	stream.linear.gather @!p1 [hbm4b:s4+s2], $0x80, $0x38;
	[tilespmem:$0x1F6E8] =	vst v63  }
0x9b: {  	s28 =	sadd.s32 $0x1, s28;
	s2 =	smov.u32 s30;
	v1 =	vld.msk [tilespmem:s29+$0x0], $0x1  }
0x9c: {  	p2 =	seq.s32 s28, $0x0;
	_ =	sdelay $0x3  }
0x9d: {  	(v2sf) =	vpush v1, $0x0;
	_ =	sdelay $0xe  }
0x9e: {  	s30 =	spop (v2sf)  }
0x9f: {  	p1 =	seq.s32 s2, s30  }
0xa0: {  	p3 =	sgt.s32 @!p1 s2, $0x0;
	s0 =	sshll.u32 @!p1 s31, $0x9;
	s31 =	sadd.s32 @!p1 $0x1, s31  }
.Ltmp9:
0xa1: {  	p3 =	por !p3, p1;
	s0 =	sshra.s32 @!p1 s0, $0x2;
	(pc) =	sbr.rel @!p2 .LBB2_10-.Ltmp9, $4  }
0xa2: {  	s31 =	smov.u32 @p1 s3;
	s2 =	simm.s32 @p3 $0x0;
	s0 =	sadd.s32 @!p1 $0x7988, s0  }
0xa3: {  	s2 =	smin.u32 @!p1 s2, $0x70  }
0xa4: {  	s3 =	sand.u32 @!p1 $0x78, s2;
	s2 =	sand.u32 @!p1 $0x7, s2  }
0xa5: {  	s29 =	sadd.s32 $0x1, s29;
	s4 =	sadd.s32 @!p1 s1, s3  }
.LBB2_11:
0xa6: {  	[tilespmem:s0], [sflag:$0x2] =	stream.linear.gather @!p1 [hbm4b:s4+s2], $0x80, $0x38;
	[tilespmem:$0x1F6E8] =	vst v63  }
.Ltmp10:
0xa7: {  	s28 =	sshll.u32 s31, $0x7;
	(pc) =	sbr.rel .LBB2_12-.Ltmp10, $4  }
0xa8: {  	s31 =	simm.s32 $0x2;
	s0 =	sand.u32 $0x3FFFFF80, s28  }
0xa9: {  	_ =	swait.ge [sflag:s31], s0  }
0xaa: {  	s0 =	ssub.s32 $0x0, s0;
	[sflag:s31] =	ssyncset.done $0x0  }
0xab: {  	s29 =	simm.s32 $0x0;
	s30 =	smov.u32 s9;
	[sflag:s31] =	ssyncadd.s32 s0  }
.LBB2_13:
0xac: {  	v1 =	vld [tilespmem:s23+$0xFFFFFFC0];
	_ =	sdelay $0x3  }
0xad: {  	s0 =	sshra.s32 s0, $0x2  }
0xae: {  	[tilespmem:s0+$0x108] =	vst.add.f32.msk $0xffff, v1  }
0xaf: {  	v1 =	vld [tilespmem:s23+$0xFFFFFFD0];
	_ =	sdelay $0x4  }
0xb0: {  	[tilespmem:s0+$0x118] =	vst.add.f32.msk $0xffff, v1  }
0xb1: {  	v1 =	vld [tilespmem:s23+$0xFFFFFFE0];
	_ =	sdelay $0x4  }
0xb2: {  	[tilespmem:s0+$0x128] =	vst.add.f32.msk $0xffff, v1  }
0xb3: {  	v1 =	vld [tilespmem:s23+$0xFFFFFFF0];
	_ =	sdelay $0x4  }
0xb4: {  	[tilespmem:s0+$0x138] =	vst.add.f32.msk $0xffff, v1  }
0xb5: {  	v1 =	vld [tilespmem:s23+$0x0];
	_ =	sdelay $0x4  }
0xb6: {  	[tilespmem:s0+$0x148] =	vst.add.f32.msk $0xffff, v1  }
0xb7: {  	v1 =	vld [tilespmem:s23+$0x10];
	_ =	sdelay $0x4  }
0xb8: {  	[tilespmem:s0+$0x158] =	vst.add.f32.msk $0xffff, v1  }
0xb9: {  	v1 =	vld [tilespmem:s23+$0x20];
	_ =	sdelay $0x4  }
0xba: {  	[tilespmem:s0+$0x168] =	vst.add.f32.msk $0xffff, v1  }
0xbb: {  	v1 =	vld [tilespmem:s23+$0x30];
	_ =	sdelay $0x4  }
0xbc: {  	[tilespmem:s0+$0x178] =	vst.add.f32.msk $0xffff, v1  }
.LBB2_17:
0xbd: {  	s24 =	sadd.s32 $0x1, s24  }
0xbe: {  	p1 =	seq.s32 s24, $0x0  }
.Ltmp11:
0xbf: {  	_ = 	snop;
	(pc) =	sbr.rel @p1 .LBB2_18-.Ltmp11, $2  }
0xc0: {  	_ =	sdelay $0x2  }
0xc1: {  	s21 =	sadd.s32 $0x1, s21;
	s23 =	sadd.s32 $0x80, s23;
	s26 =	smov.u32 s28  }
.LBB2_12:
0xc2: {  	v1 =	vld.msk [tilespmem:s21+$0x0], $0x1;
	_ =	sdelay $0x4  }
0xc3: {  	(v2sf) =	vpush v1, $0x0;
	_ =	sdelay $0xe  }
0xc4: {  	s28 =	spop (v2sf)  }
0xc5: {  	p1 =	sne.s32 s26, s28  }
.Ltmp12:
0xc6: {  	_ = 	snop;
	(pc) =	sbr.rel @!p1 .LBB2_13-.Ltmp12, $2  }
0xc7: {  	_ =	sdelay $0x2  }
0xc8: {  	s0 =	sshll.u32 s20, $0x9  }
0xc9: {  	p1 =	seq.s32 s26, s22  }
.Ltmp13:
0xca: {  	_ = 	snop;
	(pc) =	sbr.rel @!p1 .LBB2_15-.Ltmp13, $1  }
0xcb: {  	_ =	sdelay $0x3  }
0xcc: {  	s0 =	sshra.s32 s0, $0x2  }
.Ltmp14:
0xcd: {  	s0 =	sadd.s32 $0x108, s0;
	(pc) =	sbr.rel .LBB2_16-.Ltmp14, $4  }
0xce: {  	[spmem:s14] =	stream.linear.scatter [tilespmem:s0], [sflag:$0x1], $0x80, $0x38;
	[tilespmem:$0x1F6E8] =	vst v63  }
0xcf: {  	_ =	swait.ge [sflag:s12], $0x80  }
0xd0: {  	[sflag:s12] =	ssyncset.done $0x0  }
0xd1: {  	[sflag:s12] =	ssyncadd.s32 $0xFFFFFF80  }
.LBB2_15:
0xd2: {  	s2 =	sshll.u32 s25, $0x9  }
0xd3: {  	s2 =	sshra.s32 s2, $0x2  }
0xd4: {  	v1 =	vld [tilespmem:s2+$0x7988];
	_ =	sdelay $0x3  }
0xd5: {  	s0 =	sshra.s32 s0, $0x2  }
0xd6: {  	[tilespmem:s0+$0x108] =	vst.add.f32.msk $0xffff, v1  }
0xd7: {  	v1 =	vld [tilespmem:s2+$0x7998];
	_ =	sdelay $0x4  }
0xd8: {  	[tilespmem:s0+$0x118] =	vst.add.f32.msk $0xffff, v1  }
0xd9: {  	v1 =	vld [tilespmem:s2+$0x79A8];
	_ =	sdelay $0x4  }
0xda: {  	[tilespmem:s0+$0x128] =	vst.add.f32.msk $0xffff, v1  }
0xdb: {  	v1 =	vld [tilespmem:s2+$0x79B8];
	_ =	sdelay $0x4  }
0xdc: {  	[tilespmem:s0+$0x138] =	vst.add.f32.msk $0xffff, v1  }
0xdd: {  	v1 =	vld [tilespmem:s2+$0x79C8];
	_ =	sdelay $0x4  }
0xde: {  	[tilespmem:s0+$0x148] =	vst.add.f32.msk $0xffff, v1  }
0xdf: {  	v1 =	vld [tilespmem:s2+$0x79D8];
	_ =	sdelay $0x4  }
0xe0: {  	[tilespmem:s0+$0x158] =	vst.add.f32.msk $0xffff, v1  }
0xe1: {  	v1 =	vld [tilespmem:s2+$0x79E8];
	_ =	sdelay $0x4  }
0xe2: {  	[tilespmem:s0+$0x168] =	vst.add.f32.msk $0xffff, v1  }
0xe3: {  	v1 =	vld [tilespmem:s2+$0x79F8];
	_ =	sdelay $0x2  }
0xe4: {  	p1 =	sgt.u32 s26, $0x70  }
0xe5: {  	s2 =	sand.u32 @!p1 $0x78, s26  }
0xe6: {  	s3 =	sadd.s32 $0x108, s0;
	[tilespmem:s0+$0x178] =	vst.add.f32.msk $0xffff, v1;
	s0 =	sadd.s32 @!p1 s1, s2;
	s2 =	sand.u32 @!p1 $0x7, s26  }
0xe7: {  	[hbm4b:s0+s2] =	stream.linear.scatter @!p1 [tilespmem:s3], [sflag:$0xA], $0x80, $0x38;
	[tilespmem:$0x1F6E8] =	vst v63  }
0xe8: {  	s0 =	simm.s32 $0x0  }
0xe9: {  	s0 =	simm.s32 @!p1 $0x200  }
0xea: {  	s29 =	sadd.s32 s0, s29  }
.LBB2_16:
0xeb: {  	s0 =	sadd.s32 $0x1, s20  }
0xec: {  	s2 =	smulhi.u32 $0x88888889, s0;
	_ =	sdelay $0x1  }
0xed: {  	v1 =	vld [tilespmem:s23+$0xFFFFFFC0];
	s2 =	sshrl.u32 s2, $0x7  }
0xee: {  	s2 =	smul.u32 $0xF0, s2;
	_ =	sdelay $0x1  }
0xef: {  	s20 =	ssub.s32 s0, s2  }
0xf0: {  	s0 =	sshll.u32 s20, $0x7  }
0xf1: {  	[tilespmem:s0+$0x108] =	vst v1  }
0xf2: {  	v1 =	vld [tilespmem:s23+$0xFFFFFFD0];
	_ =	sdelay $0x4  }
0xf3: {  	[tilespmem:s0+$0x118] =	vst v1  }
0xf4: {  	v1 =	vld [tilespmem:s23+$0xFFFFFFE0];
	_ =	sdelay $0x4  }
0xf5: {  	[tilespmem:s0+$0x128] =	vst v1  }
0xf6: {  	v1 =	vld [tilespmem:s23+$0xFFFFFFF0];
	_ =	sdelay $0x4  }
0xf7: {  	[tilespmem:s0+$0x138] =	vst v1  }
0xf8: {  	v1 =	vld [tilespmem:s23+$0x0];
	_ =	sdelay $0x4  }
0xf9: {  	[tilespmem:s0+$0x148] =	vst v1  }
0xfa: {  	v1 =	vld [tilespmem:s23+$0x10];
	_ =	sdelay $0x4  }
0xfb: {  	[tilespmem:s0+$0x158] =	vst v1  }
0xfc: {  	v1 =	vld [tilespmem:s23+$0x20];
	_ =	sdelay $0x4  }
0xfd: {  	[tilespmem:s0+$0x168] =	vst v1  }
0xfe: {  	v1 =	vld [tilespmem:s23+$0x30]  }
.Ltmp15:
0xff: {  	_ = 	snop;
	(pc) =	sbr.rel .LBB2_17-.Ltmp15, $2  }
0x100: {  	_ =	sdelay $0x2  }
0x101: {  	s25 =	sadd.s32 $0x1, s25;
	[tilespmem:s0+$0x178] =	vst v1  }
.LBB2_19:
.Ltmp16:
0x102: {  	(pc) =	sbr.rel .LBB2_20-.Ltmp16, $4  }
0x103: {  	_ = 	snop  }
0x104: {  	s0 =	simm.s32 $0x2  }
0x105: {  	_ =	swait.ge [sflag:s0], $0x0  }
0x106: {  	s28 =	smov.u32 s26;
	[sflag:s0] =	ssyncset.done $0x0;
	s0 =	simm.s32 $0x0  }
.LBB2_22:
0x107: {  	_ =	sfence.sel $0x180000  }
0x108: {  	s0 =	simm.s32 $0x7;
	[bflag:$0x0] =	sbarrier.arrive $0xFFFF  }
0x109: {  	s24 =	simm.s32 $0x8;
	[sflag:s0] =	ssyncpa.u1 $0x1  }
0x10a: {  	s25 =	simm.s32 $0x9;
	[sflag:s24] =	ssyncpa.u1 $0x1  }
0x10b: {  	s26 =	simm.s32 $0x2;
	[sflag:s25] =	ssyncpa.u1 $0x1  }
0x10c: {  	[sflag:s26] =	ssyncpa.u1 $0x1  }
0x10d: {  	v0 =	vld [tilespmem:$0xF208];
	_ =	sdelay $0x4  }
0x10e: {  	(v2sf) =	vpush v0, $0x0  }
0x10f: {  	(v2sf) =	vpush v0, $0x1;
	_ =	sdelay $0x2  }
0x110: {  	(v2sf) =	vpush v0, $0x2;
	_ =	sdelay $0xa  }
0x111: {  	s0 =	spop (v2sf)  }
0x112: {  	s2 =	spop (v2sf)  }
0x113: {  	s3 =	smov.u32 s0;
	p0 =	sne.s32 s0, s2  }
0x114: {  	s3 =	simm.s32 @!p0 $0xFFFFFFFF  }
0x115: {  	v2 =	vimm.s32 $0x1;
	v3 =	vlaneseq.u32;
	v1 =	vmov s3;
	s3 =	spop (v2sf)  }
0x116: {  	v0 =	vperm.xlane v0, v2;
	v1 =	vperm.xlane v1, v3;
	p0 =	seq.s32 s3, $0xFFFFFFFF  }
0x117: {  	vm0 =	vcmask $0x3F04;
	s5 =	simm.s32 $0xF208;
	p1 =	sne.s32 @!p0 s0, s2  }
0x118: {  	s6 =	rddreg [dreg:$0x2];
	s0 =	simm.s32 @!p0 $0x1;
	v0 =	vsel vm0, v1, v0;
	p1 =	por !p1, p0  }
0x119: {  	s4 =	sor.u32 $0x1000, s6;
	s2 =	sshll.u32 @!p0 s3, $0x9;
	[tilespmem:$0xF208] =	vst v0;
	s0 =	simm.s32 @p1 $0x0  }
0x11a: {  	[spmem:s4] =	stream.linear.scatter [tilespmem:s5], [sflag:$0x1], $0x2, $0x38;
	[tilespmem:$0x1F6E8] =	vst v63  }
0x11b: {  	s2 =	sshra.s32 @!p0 s2, $0x2;
	s0 =	sor.u32 @!p0 s0, s6  }
0x11c: {  	s2 =	sadd.s32 @!p0 $0x108, s2;
	s0 =	sshll.u32 @!p0 s0, $0x7  }
0x11d: {  	[spmem:s0] =	stream.linear.scatter @!p0 [tilespmem:s2], [sflag:$0x1], $0x80, $0x38;
	[tilespmem:$0x1F6E8] =	vst v63  }
0x11e: {  	s2 =	simm.s32 @!p0 $0x82  }
0x11f: {  	s0 =	simm.s32 $0x1;
	s2 =	simm.s32 @p0 $0x2  }
0x120: {  	_ =	swait.ge [sflag:s0], s2  }
0x121: {  	s2 =	ssub.s32 $0x0, s2;
	[sflag:s0] =	ssyncset.done $0x0  }
0x122: {  	[sflag:s0] =	ssyncadd.s32 s2  }
0x123: {  	_ =	sfence.stream.spmem  }
0x124: {  	s28 =	simm.s32 $0x3;
	[bflag:$0x0] =	sbarrier.arrive $0xFFFF  }
0x125: {  	s29 =	simm.s32 $0x4;
	[sflag:s28] =	ssyncpa.u1 $0x1  }
0x126: {  	s30 =	simm.s32 $0x3C;
	s31 =	stileid.u32;
	[sflag:s29] =	ssyncpa.u1 $0x1  }
0x127: {  	p0 =	sne.s32 s31, $0x0;
	[sflag:s30] =	ssyncpa.u1 $0x1  }
0x128: {  	_ =	sfence @p0  }
0x129: {  	[sflag:s0] =	ssyncpa.u1 @p0 $0x1  }
0x12a: {  	_ =	strace @p0 $0x9000004A  }
0x12b: {  	[bflag:$0x2] =	sbarrier.arrive @p0 $0xFFFF  }
0x12c: {  	_ =	shalt @p0  }
.LBB2_23:
0x12d: {  	_ =	sfence.stream.spmem;
	s0 =	simm.s32 $0x5  }
0x12e: {  	s2 =	simm.s32 $0x1000;
	s3 =	simm.s32 $0xF218;
	[sflag:s0] =	ssyncpa.u1 $0x0  }
0x12f: {  	[tilespmem:s3], [sflag:$0x5] =	stream.linear.gather [spmem:s2], $0x20, $0x38;
	[tilespmem:$0x1F6E8] =	vst v63  }
0x130: {  	s30 =	simm.s32 $0xF238;
	s2 =	simm.s32 $0x0  }
0x131: {  	[tilespmem:s30], [sflag:$0x5] =	stream.linear.gather [spmem:s2], $0x1000, $0x38;
	[tilespmem:$0x1F6E8] =	vst v63  }
.Ltmp17:
0x132: {  	_ = 	snop;
	(pc) =	sbr.rel .LBB2_24-.Ltmp17, $4  }
0x133: {  	_ =	swait.ge [sflag:s0], $0x1020  }
0x134: {  	[sflag:s0] =	ssyncset.done $0x0  }
0x135: {  	s31 =	simm.s32 $0x6;
	[sflag:s0] =	ssyncadd.s32 $0xFFFFEFE0  }
0x136: {  	s3 =	simm.s32 $0x0;
	[sflag:s31] =	ssyncpa.u1 $0x0  }
.LBB2_30:
0x137: {  	p0 =	slt.u32 s4, $0x71  }
0x138: {  	s0 =	sand.u32 @p0 $0x78, s4  }
0x139: {  	s4 =	sand.u32 @p0 $0x7, s4;
	s5 =	simm.s32 @p0 $0xF188;
	s0 =	sadd.s32 @p0 s1, s0  }
0x13a: {  	[tilespmem:s5], [sflag:$0x6] =	stream.linear.gather @p0 [hbm4b:s0+s4], $0x80, $0x38;
	[tilespmem:$0x1F6E8] =	vst v63  }
0x13b: {  	s0 =	simm.s32 @p0 $0x6  }
0x13c: {  	_ =	swait.ge @p0 [sflag:s0], $0x80  }
0x13d: {  	[sflag:s0] =	ssyncset.done @p0 $0x0  }
0x13e: {  	[sflag:s0] =	ssyncadd.s32 @p0 $0xFFFFFF80  }
0x13f: {  	v1 =	vld @p0 [tilespmem:$0xF188];
	_ =	sdelay $0x2  }
0x140: {  	s0 =	sshll.u32 @p0 s3, $0x9  }
0x141: {  	s4 =	sshrl.u32 @p0 s0, $0x2  }
0x142: {  	[tilespmem:s4+$0xF238] =	vst.add.f32.msk @p0 $0xffff, v1  }
0x143: {  	v1 =	vld @p0 [tilespmem:$0xF198];
	_ =	sdelay $0x4  }
0x144: {  	[tilespmem:s4+$0xF248] =	vst.add.f32.msk @p0 $0xffff, v1  }
0x145: {  	v1 =	vld @p0 [tilespmem:$0xF1A8];
	_ =	sdelay $0x4  }
0x146: {  	[tilespmem:s4+$0xF258] =	vst.add.f32.msk @p0 $0xffff, v1  }
0x147: {  	v1 =	vld @p0 [tilespmem:$0xF1B8];
	_ =	sdelay $0x4  }
0x148: {  	[tilespmem:s4+$0xF268] =	vst.add.f32.msk @p0 $0xffff, v1  }
0x149: {  	v1 =	vld @p0 [tilespmem:$0xF1C8];
	_ =	sdelay $0x4  }
0x14a: {  	[tilespmem:s4+$0xF278] =	vst.add.f32.msk @p0 $0xffff, v1  }
0x14b: {  	v1 =	vld @p0 [tilespmem:$0xF1D8];
	_ =	sdelay $0x4  }
0x14c: {  	[tilespmem:s4+$0xF288] =	vst.add.f32.msk @p0 $0xffff, v1  }
0x14d: {  	v1 =	vld @p0 [tilespmem:$0xF1E8];
	_ =	sdelay $0x4  }
0x14e: {  	[tilespmem:s4+$0xF298] =	vst.add.f32.msk @p0 $0xffff, v1  }
0x14f: {  	v1 =	vld @p0 [tilespmem:$0xF1F8];
	_ =	sdelay $0x3  }
0x150: {  	s5 =	sshll.u32 @!p0 s3, $0x9  }
0x151: {  	s5 =	smov.u32 @p0 s0;
	[tilespmem:s4+$0xF2A8] =	vst.add.f32.msk @p0 $0xffff, v1  }
0x152: {  	s0 =	sshrl.u32 s5, $0x2;
	[tilespmem:s2+$0xF218] =	vst.msk $0x1, v0  }
0x153: {  	v0 =	vld [tilespmem:s0+$0xF238];
	_ =	sdelay $0x2  }
0x154: {  	s31 =	sshll.u32 s2, $0x9  }
0x155: {  	s4 =	sshra.s32 s31, $0x2  }
0x156: {  	[tilespmem:s4+$0xF238] =	vst v0  }
0x157: {  	v0 =	vld [tilespmem:s0+$0xF248];
	_ =	sdelay $0x4  }
0x158: {  	[tilespmem:s4+$0xF248] =	vst v0  }
0x159: {  	v0 =	vld [tilespmem:s0+$0xF258];
	_ =	sdelay $0x4  }
0x15a: {  	[tilespmem:s4+$0xF258] =	vst v0  }
0x15b: {  	v0 =	vld [tilespmem:s0+$0xF268];
	_ =	sdelay $0x4  }
0x15c: {  	[tilespmem:s4+$0xF268] =	vst v0  }
0x15d: {  	v0 =	vld [tilespmem:s0+$0xF278];
	_ =	sdelay $0x4  }
0x15e: {  	[tilespmem:s4+$0xF278] =	vst v0  }
0x15f: {  	v0 =	vld [tilespmem:s0+$0xF288];
	_ =	sdelay $0x4  }
0x160: {  	[tilespmem:s4+$0xF288] =	vst v0  }
0x161: {  	v0 =	vld [tilespmem:s0+$0xF298];
	_ =	sdelay $0x4  }
0x162: {  	[tilespmem:s4+$0xF298] =	vst v0  }
0x163: {  	v0 =	vld [tilespmem:s0+$0xF2A8];
	_ =	sdelay $0x4  }
0x164: {  	s2 =	sadd.s32 $0x1, s2;
	[tilespmem:s4+$0xF2A8] =	vst v0  }
.LBB2_31:
0x165: {  	s3 =	sadd.s32 $0x1, s3  }
0x166: {  	p0 =	sne.s32 s3, $0x20  }
.Ltmp18:
0x167: {  	_ = 	snop;
	(pc) =	sbr.rel @!p0 .LBB2_32-.Ltmp18, $1  }
0x168: {  	_ =	sdelay $0x3  }
.LBB2_24:
0x169: {  	v0 =	vld.msk [tilespmem:s3+$0xF218], $0x1;
	_ =	sdelay $0x4  }
0x16a: {  	(v2sf) =	vpush v0, $0x0;
	_ =	sdelay $0xe  }
0x16b: {  	s4 =	spop (v2sf)  }
0x16c: {  	p0 =	seq.s32 s4, $0xFFFFFFFF  }
.Ltmp19:
0x16d: {  	_ = 	snop;
	(pc) =	sbr.rel @p0 .LBB2_31-.Ltmp19, $1  }
0x16e: {  	_ =	sdelay $0x3  }
0x16f: {  	p0 =	slt.s32 s2, $0x1  }
.Ltmp20:
0x170: {  	_ = 	snop;
	(pc) =	sbr.rel @p0 .LBB2_30-.Ltmp20, $1  }
0x171: {  	_ =	sdelay $0x3  }
0x172: {  	s5 =	simm.s32 $0xF218;
	p0 =	por $0x0, $0x0  }
0x173: {  	v1 =	vld.msk @!p0 [tilespmem:s5+$0x0], $0x1;
	_ =	sdelay $0x4  }
0x174: {  	(v2sf) =	vpush @!p0 v1, $0x0;
	_ =	sdelay $0xd  }
0x175: {  	p2 =	sne.s32 s2, $0x1  }
.Ltmp21:
0x176: {  	s0 =	spop @!p0 (v2sf);
	(pc) =	sbr.rel @!p2 .LBB2_28-.Ltmp21, $4  }
0x177: {  	p1 =	seq.s32 @!p0 s4, s0  }
0x178: {  	s6 =	simm.s32 $0x0;
	p1 =	por !p1, p0  }
0x179: {  	s0 =	simm.s32 $0xFFFFFFFF;
	s6 =	simm.s32 @p1 $0xFFFFFFFF  }
0x17a: {  	s7 =	simm.s32 $0x1;
	s6 =	smov.u32 @p0 s0  }
.LBB2_27:
0x17b: {  	s0 =	smov.u32 s6;
	p0 =	sne.s32 s6, $0xFFFFFFFF  }
0x17c: {  	s5 =	sadd.s32 $0x1, s5;
	s6 =	smov.u32 s7;
	s7 =	sadd.s32 $0x1, s7  }
0x17d: {  	p1 =	sne.s32 s2, s7;
	v1 =	vld.msk @!p0 [tilespmem:s5+$0x0], $0x1;
	_ =	sdelay $0x4  }
0x17e: {  	(v2sf) =	vpush @!p0 v1, $0x0;
	_ =	sdelay $0xe  }
.Ltmp22:
0x17f: {  	s8 =	spop @!p0 (v2sf);
	(pc) =	sbr.rel @p1 .LBB2_27-.Ltmp22, $4  }
0x180: {  	p2 =	seq.s32 @!p0 s4, s8  }
0x181: {  	p2 =	por !p2, p0  }
0x182: {  	s6 =	simm.s32 @p2 $0xFFFFFFFF  }
0x183: {  	s6 =	smov.u32 @p0 s0  }
.LBB2_28:
0x184: {  	p0 =	seq.s32 s6, $0xFFFFFFFF  }
.Ltmp23:
0x185: {  	_ = 	snop;
	(pc) =	sbr.rel @p0 .LBB2_30-.Ltmp23, $1  }
0x186: {  	_ =	sdelay $0x3  }
0x187: {  	s0 =	sshll.u32 s3, $0x7  }
0x188: {  	s0 =	sand.u32 $0x3FFFFF80, s0  }
0x189: {  	v0 =	vld [tilespmem:s0+$0xF238];
	_ =	sdelay $0x2  }
0x18a: {  	s4 =	sshll.u32 s6, $0x9  }
0x18b: {  	s4 =	sshra.s32 s4, $0x2  }
0x18c: {  	[tilespmem:s4+$0xF238] =	vst.add.f32.msk $0xffff, v0  }
0x18d: {  	v0 =	vld [tilespmem:s0+$0xF248];
	_ =	sdelay $0x4  }
0x18e: {  	[tilespmem:s4+$0xF248] =	vst.add.f32.msk $0xffff, v0  }
0x18f: {  	v0 =	vld [tilespmem:s0+$0xF258];
	_ =	sdelay $0x4  }
0x190: {  	[tilespmem:s4+$0xF258] =	vst.add.f32.msk $0xffff, v0  }
0x191: {  	v0 =	vld [tilespmem:s0+$0xF268];
	_ =	sdelay $0x4  }
0x192: {  	[tilespmem:s4+$0xF268] =	vst.add.f32.msk $0xffff, v0  }
0x193: {  	v0 =	vld [tilespmem:s0+$0xF278];
	_ =	sdelay $0x4  }
0x194: {  	[tilespmem:s4+$0xF278] =	vst.add.f32.msk $0xffff, v0  }
0x195: {  	v0 =	vld [tilespmem:s0+$0xF288];
	_ =	sdelay $0x4  }
0x196: {  	[tilespmem:s4+$0xF288] =	vst.add.f32.msk $0xffff, v0  }
0x197: {  	v0 =	vld [tilespmem:s0+$0xF298];
	_ =	sdelay $0x4  }
0x198: {  	[tilespmem:s4+$0xF298] =	vst.add.f32.msk $0xffff, v0  }
0x199: {  	v0 =	vld [tilespmem:s0+$0xF2A8]  }
.Ltmp24:
0x19a: {  	_ = 	snop;
	(pc) =	sbr.rel .LBB2_31-.Ltmp24, $2  }
0x19b: {  	_ =	sdelay $0x2  }
0x19c: {  	[tilespmem:s4+$0xF2A8] =	vst.add.f32.msk $0xffff, v0  }
.LBB2_32:
0x19d: {  	p0 =	slt.s32 s2, $0x1  }
.Ltmp25:
0x19e: {  	_ = 	snop;
	(pc) =	sbr.rel @p0 .LBB2_36-.Ltmp25, $3  }
0x19f: {  	_ =	sdelay $0x1  }
0x1a0: {  	s0 =	simm.s32 $0x6  }
0x1a1: {  	s3 =	simm.s32 $0x0;
	[sflag:s0] =	ssyncpa.u1 $0x1  }
0x1a2: {  	s0 =	simm.s32 $0xF218  }
0x1a3: {  	v0 =	vld.msk [tilespmem:s0+$0x0], $0x1;
	_ =	sdelay $0x4  }
0x1a4: {  	(v2sf) =	vpush v0, $0x0;
	_ =	sdelay $0xe  }
0x1a5: {  	s2 =	sadd.s32 $0xFFFFFFFF, s2;
	s0 =	spop (v2sf)  }
0x1a6: {  	p1 =	sne.s32 s2, $0x0;
	p0 =	sgt.u32 s0, $0x70  }
.Ltmp26:
0x1a7: {  	s5 =	sand.u32 @!p0 $0x78, s0;
	(pc) =	sbr.rel @!p1 .LBB2_35-.Ltmp26, $4  }
0x1a8: {  	s4 =	simm.s32 $0xF238;
	s0 =	sand.u32 @!p0 $0x7, s0;
	s5 =	sadd.s32 @!p0 s1, s5  }
0x1a9: {  	[hbm4b:s5+s0] =	stream.linear.scatter @!p0 [tilespmem:s4], [sflag:$0x5], $0x80, $0x38;
	[tilespmem:$0x1F6E8] =	vst v63  }
0x1aa: {  	s0 =	simm.s32 $0x0  }
0x1ab: {  	s5 =	simm.s32 $0xF219;
	s0 =	simm.s32 @!p0 $0x200  }
.LBB2_34:
0x1ac: {  	v0 =	vld.msk [tilespmem:s5+$0x0], $0x1;
	s2 =	sadd.s32 $0xFFFFFFFF, s2;
	s3 =	sadd.s32 s3, s0  }
0x1ad: {  	p0 =	sne.s32 s2, $0x0;
	_ =	sdelay $0x3  }
0x1ae: {  	(v2sf) =	vpush v0, $0x0;
	_ =	sdelay $0xe  }
.Ltmp27:
0x1af: {  	s6 =	spop (v2sf);
	(pc) =	sbr.rel @p0 .LBB2_34-.Ltmp27, $4  }
0x1b0: {  	s0 =	simm.s32 $0x0;
	p1 =	sgt.u32 s6, $0x70  }
0x1b1: {  	s4 =	sadd.s32 $0x80, s4;
	s0 =	simm.s32 @!p1 $0x200;
	s7 =	sand.u32 @!p1 $0x78, s6  }
0x1b2: {  	s5 =	sadd.s32 $0x1, s5;
	s6 =	sand.u32 @!p1 $0x7, s6;
	s7 =	sadd.s32 @!p1 s1, s7  }
0x1b3: {  	[hbm4b:s7+s6] =	stream.linear.scatter @!p1 [tilespmem:s4], [sflag:$0x5], $0x80, $0x38;
	[tilespmem:$0x1F6E8] =	vst v63  }
.LBB2_35:
0x1b4: {  	s0 =	sadd.s32 s3, s0  }
0x1b5: {  	s3 =	sshrl.u32 s0, $0x2  }
.LBB2_36:
0x1b6: {  	s0 =	simm.s32 $0x5  }
0x1b7: {  	_ =	swait.ge [sflag:s0], s3  }
0x1b8: {  	s1 =	ssub.s32 $0x0, s3;
	[sflag:s0] =	ssyncset.done $0x0  }
0x1b9: {  	[sflag:s0] =	ssyncadd.s32 s1  }
0x1ba: {  	[sflag:s0] =	ssyncpa.u1 $0x1  }
0x1bb: {  	s30 =	simm.s32 $0x1;
	_ =	sfence  }
0x1bc: {  	[sflag:s30] =	ssyncpa.u1 $0x1  }
0x1bd: {  	_ =	strace $0x9000004A  }
0x1be: {  	[bflag:$0x2] =	sbarrier.arrive $0xFFFF  }
0x1bf: {  	s31 =	rddreg [dreg:$0x1]  }
0x1c0: {  	s0 =	sadd.s32 $0x100000, s31  }
0x1c1: {  	[sflag:s0] =	ssyncadd.tile.s32 $0x1;
	_ =	shalt  }
.Lfunc_end2:
_tile_overlayer_lowered:
.L_overlay_start_2:
0x1c2: {  	(tag) =	ssettag $0x2  }
0x1c3: {  	s0 =	rddreg [dreg:$0x0];
	s2 =	stileid.u32  }
0x1c4: {  	s1 =	rddreg [dreg:$0x1];
	p0 =	sne.s32 s2, $0x0  }
0x1c5: {  	s3 =	rddreg [dreg:$0x2];
	[bflag:$0x3] =	sbarrier.arrive $0xFFFF;
	s2 =	simm.s32 @!p0 $0x1C01  }
0x1c6: {  	[timem:s3], [sflag:s2] =	dma.local @!p0 [hbm:s0], s1  }
0x1c7: {  	s0 =	simm.s32 @!p0 $0x1  }
0x1c8: {  	_ =	swait.ge @!p0 [sflag:s0], s1  }
0x1c9: {  	s1 =	ssub.s32 @!p0 $0x0, s1;
	[sflag:s0] =	ssyncset.done @!p0 $0x0  }
0x1ca: {  	[sflag:s0] =	ssyncadd.s32 @!p0 s1  }
0x1cb: {  	[bflag:$0x3] =	sbarrier.arrive $0xFFFF  }
0x1cc: {  	_ =	shalt  }

</sc_bundles>
